<compile_context>
chip_gen: v7x
topology: tpu7x:2x2x1
jax: 0.10.2.dev20260603
libtpu: 0.0.44.dev20260713+nightly
codegen_flags: <defaults>
</compile_context>

<pallas_src>
import functools

import jax
import jax.numpy as jnp
from jax import lax
from jax.experimental import pallas as pl
from jax.experimental.pallas import tpu as pltpu
from jax.experimental.pallas import tpu_sc as plsc

_EPS = 1e-5
_TOPK = 2
_BLK = 512
_GBLK = 512


def _dot_t(a, b, precision=None):
    return jax.lax.dot_general(
        a, b, dimension_numbers=(((1,), (1,)), ((), ())),
        precision=precision, preferred_element_type=jnp.float32)


def _silu(v):
    return v * jax.nn.sigmoid(v)


def _ln(x_ref, lnw_ref, lnb_ref):
    xb = x_ref[...]
    mu = jnp.mean(xb, axis=-1, keepdims=True)
    xc = xb - mu
    var = jnp.mean(xc * xc, axis=-1, keepdims=True)
    return xc / jnp.sqrt(var + _EPS) * lnw_ref[...] + lnb_ref[...]


def _gates_body(x_ref, lnw_ref, lnb_ref, wcat_ref, bcat_ref, gout_ref):
    flat = _ln(x_ref, lnw_ref, lnb_ref)
    gout_ref[...] = _dot_t(wcat_ref[...], flat) + bcat_ref[...]


def _routing_sc(gcat, G, EPG):
    E = G * EPG
    S = gcat.shape[1]
    NC, NS, L = 2, 16, 16
    NWA = 16
    TPW = S // NWA
    mesh = plsc.VectorSubcoreMesh(core_axis_name="c", subcore_axis_name="s")

    @functools.partial(
        pl.kernel, mesh=mesh,
        out_type=jax.ShapeDtypeStruct((E, S), jnp.float32),
        scratch_types=[pltpu.VMEM((G + E, TPW), jnp.float32),
                       pltpu.VMEM((E, TPW), jnp.float32)])
    def k(gcat_hbm, c8_hbm, buf, cbuf):
        wid = lax.axis_index("s") * NC + lax.axis_index("c")

        @pl.when(wid < NWA)
        def _active_worker():
            base = wid * TPW
            pltpu.sync_copy(gcat_hbm.at[:, pl.ds(base, TPW)], buf)

            @pl.loop(0, TPW, step=L)
            def _(c):
                sl = pl.ds(c, L)
                g0 = buf[0, sl]
                g1 = buf[1, sl]
                gm = g1 > g0
                ls = []
                for i in range(EPG):
                    ls.append(
                        jnp.where(gm, buf[G + EPG + i, sl], buf[G + i, sl]))
                m = ls[0]
                for l in ls[1:]:
                    m = jnp.maximum(m, l)
                exs = [jnp.exp(l - m) for l in ls]
                ssum = exs[0]
                for e_ in exs[1:]:
                    ssum = ssum + e_
                ps = [e_ / ssum for e_ in exs]
                zero = jnp.zeros_like(ps[0])
                one = zero + 1.0
                for i in range(EPG):
                    cnt = zero
                    for j in range(EPG):
                        if j == i:
                            continue
                        beats = (ps[j] >= ps[i]) if j < i else (ps[j] > ps[i])
                        cnt = cnt + jnp.where(beats, one, zero)
                    ci = jnp.where(cnt < float(_TOPK), ps[i], zero)
                    cbuf[i, sl] = jnp.where(gm, zero, ci)
                    cbuf[EPG + i, sl] = jnp.where(gm, ci, zero)

            pltpu.sync_copy(cbuf, c8_hbm.at[:, pl.ds(base, TPW)])

    return k(gcat)


def _dense_core(first, G, EPG, H, x_ref, c8_ref, lnw_ref, lnb_ref, bso_ref,
                beo_ref, wso_ref, wsi_hbm, wei_hbm, weo_hbm, out_ref,
                wsi_v, wei_v, weo_v, sem_si, sem_ei, sem_o1, sem_o2):
    E = G * EPG
    if first:
        pltpu.make_async_copy(wsi_hbm, wsi_v, sem_si).start()
        pltpu.make_async_copy(wei_hbm, wei_v, sem_ei).start()
        pltpu.make_async_copy(weo_hbm.at[:EPG], weo_v.at[:EPG], sem_o1).start()
        pltpu.make_async_copy(weo_hbm.at[EPG:], weo_v.at[EPG:], sem_o2).start()

    flat = _ln(x_ref, lnw_ref, lnb_ref)
    c8 = jnp.transpose(c8_ref[...])

    if first:
        pltpu.make_async_copy(wsi_hbm, wsi_v, sem_si).wait()
    h_shared = (_silu(_dot_t(flat, wsi_v[:H, :])) * _dot_t(flat, wsi_v[H:, :]))
    acc = _dot_t(h_shared, wso_ref[...]) + bso_ref[...]

    if first:
        pltpu.make_async_copy(wei_hbm, wei_v, sem_ei).wait()
    h_expert = (_silu(_dot_t(flat, wei_v[:H, :])) * _dot_t(flat, wei_v[H:, :]))

    if first:
        pltpu.make_async_copy(weo_hbm.at[:EPG], weo_v.at[:EPG], sem_o1).wait()
    for e in range(EPG):
        w = c8[:, e:e + 1]
        acc = acc + w * (_dot_t(h_expert, weo_v[e]) + beo_ref[e:e + 1, :])

    if first:
        pltpu.make_async_copy(weo_hbm.at[EPG:], weo_v.at[EPG:], sem_o2).wait()
    for e in range(EPG, E):
        w = c8[:, e:e + 1]
        acc = acc + w * (_dot_t(h_expert, weo_v[e]) + beo_ref[e:e + 1, :])
    out_ref[...] = acc


def _dense_body(G, EPG, H, *refs):
    i = pl.program_id(0)

    @pl.when(i == 0)
    def _first_step():
        _dense_core(True, G, EPG, H, *refs)

    @pl.when(i != 0)
    def _steady_state():
        _dense_core(False, G, EPG, H, *refs)


def kernel(x, ln_w, ln_b, w_shared_in, w_shared_out, b_shared_out,
           w_expert_in, expert_out_w, expert_out_b,
           w_group_gate, w_expert_gate, group_bias, expert_bias):
    B, T, C = x.shape
    S = B * T
    G = w_group_gate.shape[0]
    E = expert_out_w.shape[0]
    EPG = E // G
    H = w_shared_out.shape[1]
    flat_x = x.reshape(S, C)
    lnw2 = ln_w.reshape(1, C)
    lnb2 = ln_b.reshape(1, C)

    wcat = jnp.concatenate([w_group_gate, w_expert_gate], axis=0)
    bcat = jnp.concatenate([group_bias, expert_bias]).reshape(G + E, 1)

    const2 = lambda i: (0, 0)
    anyspec = pl.BlockSpec(memory_space=pl.ANY)

    gcat = pl.pallas_call(
        _gates_body,
        grid=(S // _GBLK,),
        in_specs=[
            pl.BlockSpec((_GBLK, C), lambda i: (i, 0)),
            pl.BlockSpec((1, C), const2),
            pl.BlockSpec((1, C), const2),
            pl.BlockSpec((G + E, C), const2),
            pl.BlockSpec((G + E, 1), const2),
        ],
        out_specs=pl.BlockSpec((G + E, _GBLK), lambda i: (0, i)),
        out_shape=jax.ShapeDtypeStruct((G + E, S), jnp.float32),
        compiler_params=pltpu.CompilerParams(
            dimension_semantics=("arbitrary",)),
    )(flat_x, lnw2, lnb2, wcat, bcat)

    c8t = _routing_sc(gcat, G, EPG)

    out = pl.pallas_call(
        functools.partial(_dense_body, G, EPG, H),
        grid=(S // _BLK,),
        in_specs=[
            pl.BlockSpec((_BLK, C), lambda i: (i, 0)),
            pl.BlockSpec((E, _BLK), lambda i: (0, i)),
            pl.BlockSpec((1, C), const2),
            pl.BlockSpec((1, C), const2),
            pl.BlockSpec((1, C), const2),
            pl.BlockSpec((E, C), const2),
            pl.BlockSpec((C, H), const2),
            anyspec,
            anyspec,
            anyspec,
        ],
        out_specs=pl.BlockSpec((_BLK, C), lambda i: (i, 0)),
        out_shape=jax.ShapeDtypeStruct((S, C), jnp.float32),
        scratch_shapes=[
            pltpu.VMEM((2 * H, C), jnp.float32),
            pltpu.VMEM((2 * H, C), jnp.float32),
            pltpu.VMEM((E, C, H), jnp.float32),
            pltpu.SemaphoreType.DMA,
            pltpu.SemaphoreType.DMA,
            pltpu.SemaphoreType.DMA,
            pltpu.SemaphoreType.DMA,
        ],
        compiler_params=pltpu.CompilerParams(
            dimension_semantics=("arbitrary",),
            vmem_limit_bytes=128 * 1024 * 1024,
        ),
    )(flat_x, c8t, lnw2, lnb2, b_shared_out.reshape(1, C), expert_out_b,
      w_shared_out, w_shared_in, w_expert_in, expert_out_w)
    return out.reshape(B, T, C)

# --- scband reference (transcript-rebuilt; emitter-appended) ---
"""Pipeline reference for scband-hier-dsfeed-forward-71451075936561 (READ-ONLY COPY).

The authoritative reference and input builder live on the scoring server;
editing this copy changes nothing except your own understanding.
"""

import jax, jax.numpy as jnp
import numpy as np

B, T, MODEL_DIM = 1, 2048, 768
HIDDEN = 1024
G, EPG, TOPK = 2, 4, 2
E = G * EPG


def _swiglu(x):
    a, b = jnp.split(x, 2, axis=-1)
    return jax.nn.silu(a) * b


def setup_inputs(seed: int = 0) -> dict:
    key = jax.random.key(seed)
    ks = jax.random.split(key, 8)

    def s(k, shape, fan):
        return jax.random.normal(k, shape, dtype=jnp.float32) * (1.0 / np.sqrt(fan))

    return {
        "x": jax.random.normal(ks[0], (B, T, MODEL_DIM), dtype=jnp.float32),
        "ln_w": jnp.ones((MODEL_DIM,), dtype=jnp.float32),
        "ln_b": jnp.zeros((MODEL_DIM,), dtype=jnp.float32),
        "w_shared_in": s(ks[1], (2 * HIDDEN, MODEL_DIM), MODEL_DIM),
        "w_shared_out": s(ks[2], (MODEL_DIM, HIDDEN), HIDDEN),
        "b_shared_out": jnp.zeros((MODEL_DIM,), dtype=jnp.float32),
        "w_expert_in": s(ks[3], (2 * HIDDEN, MODEL_DIM), MODEL_DIM),
        "expert_out_w": s(ks[4], (E, MODEL_DIM, HIDDEN), HIDDEN),
        "expert_out_b": jnp.zeros((E, MODEL_DIM), dtype=jnp.float32),
        "w_group_gate": s(ks[5], (G, MODEL_DIM), MODEL_DIM),
        "w_expert_gate": s(ks[6], (E, MODEL_DIM), MODEL_DIM),
        "group_bias": jnp.zeros((G,), dtype=jnp.float32),
        "expert_bias": jnp.zeros((E,), dtype=jnp.float32),
    }


def reference(x, ln_w, ln_b, w_shared_in, w_shared_out, b_shared_out,
              w_expert_in, expert_out_w, expert_out_b,
              w_group_gate, w_expert_gate, group_bias, expert_bias):
    # Eval-mode forward (dropout identity, hard group routing, p_group = 1).
    Bq, Tq, C = x.shape
    S = Bq * Tq
    flat = x.reshape(S, C)
    # LayerNorm (biased variance, eps=1e-5, matches torch)
    mu = flat.mean(axis=-1, keepdims=True)
    var = flat.var(axis=-1, keepdims=True)
    flat = (flat - mu) / jnp.sqrt(var + 1e-5) * ln_w + ln_b
    # Shared FFN path
    h_shared = _swiglu(flat @ w_shared_in.T)
    out_shared = h_shared @ w_shared_out.T + b_shared_out
    # Group gate: hard top-1 group (inference path)
    g_logits = flat @ w_group_gate.T + group_bias
    g_idx = jnp.argmax(g_logits, axis=-1)  # [S]
    # Expert gate within the selected group
    e_logits = (flat @ w_expert_gate.T).reshape(S, G, EPG)
    eb = expert_bias.reshape(G, EPG)
    e_sel = e_logits[jnp.arange(S), g_idx] + eb[g_idx]  # [S, EPG]
    e_probs = jax.nn.softmax(e_sel, axis=-1)
    # p_group == 1 at inference, so p_expert_sel == e_probs
    topv, topi = jax.lax.top_k(e_probs, TOPK)  # [S, k]
    disp_ids = g_idx[:, None] * EPG + topi  # [S, k] global expert ids
    # Expert FFN path
    h_expert = _swiglu(flat @ w_expert_in.T)  # [S, HIDDEN]
    # Compute every expert's output projection then gather the selected ones
    # (mathematically identical to per-token bmm with gathered expert weights)
    all_out = jnp.einsum('sh,emh->sem', h_expert, expert_out_w)  # [S, E, C]
    sel_out = all_out[jnp.arange(S)[:, None], disp_ids] + expert_out_b[disp_ids]  # [S, k, C]
    routed = (sel_out * topv[..., None]).sum(axis=1)  # scatter-add over top-k back to tokens
    out = out_shared + routed
    return out.reshape(Bq, Tq, C)

if __name__ == "__main__":
    import jax
    _d = setup_inputs()
    print(jax.jit(kernel)(*tuple(_d.values())))

</pallas_src>

<mosaic_0001>
#map = affine_map<(d0, d1) -> (0, 0)>
module attributes {stable_mosaic.version = 14 : i64} {
  func.func @k(%arg0: i32, %arg1: i32, %arg2: memref<10x2048xf32, #tpu.memory_space<hbm>>, %arg3: memref<8x2048xf32, #tpu.memory_space<hbm>>, %arg4: memref<10x128xf32, #tpu.memory_space<vmem>>, %arg5: memref<8x128xf32, #tpu.memory_space<vmem>>) attributes {dimension_semantics = [#tpu.dimension_semantics<core_parallel>, #tpu.dimension_semantics<subcore_parallel>], iteration_bounds = array<i64: 2, 16>, scalar_prefetch = 0 : i64, scratch_operands = 2 : i64, tpu.core_type = #tpu.core_type<sc_vector_subcore>, window_params = [{transform_indices = #map}, {transform_indices = #map}]} {
    %mul3A = arith.constant 2 : i32
    %mul3A_0 = arith.muli %arg1, %mul3A : i32
    %add3A = arith.addi %mul3A_0, %arg0 : i32
    %lt3A = arith.constant 16 : i32
    %lt3A_1 = arith.cmpi slt, %add3A, %lt3A : i32
    %convert_element_type3A = arith.extui %lt3A_1 : i1 to i32
    %cond3A = arith.constant 0 : i32
    %cond3A_2 = arith.cmpi ne, %convert_element_type3A, %cond3A : i32
    scf.if %cond3A_2 {
      %mul3A_3 = arith.constant 128 : i32
      %mul3A_4 = arith.muli %add3A, %mul3A_3 : i32
      "tpu.region"() ({
        %run_scoped3A = tpu.sem_alloc : memref<!tpu.dma_semaphore, #tpu.memory_space<semaphore_mem>>
        %dma_start3A = arith.constant 0 : i32
        %dma_start3A_9 = tpu.memref_slice %arg2[%dma_start3A, %mul3A_4] : memref<10x2048xf32, #tpu.memory_space<hbm>> -> memref<10x128xf32, #tpu.memory_space<hbm>>
        %dma_start3A_10 = arith.constant 0 : i32
        %dma_start3A_11 = tpu.memref_slice %arg2[%dma_start3A_10, %mul3A_4] : memref<10x2048xf32, #tpu.memory_space<hbm>> -> memref<10x128xf32, #tpu.memory_space<hbm>>
        tpu.enqueue_dma source(%dma_start3A_11 : memref<10x128xf32, #tpu.memory_space<hbm>>) target(%arg4 : memref<10x128xf32, #tpu.memory_space<vmem>>) target_semaphore(%run_scoped3A : memref<!tpu.dma_semaphore, #tpu.memory_space<semaphore_mem>>)
        %dma_wait3A = arith.constant 0 : i32
        %dma_wait3A_12 = tpu.memref_slice %arg2[%dma_wait3A, %mul3A_4] : memref<10x2048xf32, #tpu.memory_space<hbm>> -> memref<10x128xf32, #tpu.memory_space<hbm>>
        %dma_wait3A_13 = arith.constant 0 : i32
        %dma_wait3A_14 = tpu.memref_slice %arg2[%dma_wait3A_13, %mul3A_4] : memref<10x2048xf32, #tpu.memory_space<hbm>> -> memref<10x128xf32, #tpu.memory_space<hbm>>
        tpu.wait_dma2 semaphore(%run_scoped3A : memref<!tpu.dma_semaphore, #tpu.memory_space<semaphore_mem>>) src(%dma_wait3A_14 : memref<10x128xf32, #tpu.memory_space<hbm>>) dst(%arg4 : memref<10x128xf32, #tpu.memory_space<vmem>>)
        tpu.yield
      }) : () -> ()
      %scan3A = arith.constant 0 : i32
      %scan3A_5 = arith.constant 8 : i32
      %scan3A_6 = arith.addi %scan3A, %scan3A_5 : i32
      %scan3A_7 = arith.constant 1 : i32
      scf.for %scan3A_9 = %scan3A to %scan3A_6 step %scan3A_7  : i32 {
        %mul3A_10 = arith.constant 16 : i32
        %mul3A_11 = arith.muli %scan3A_9, %mul3A_10 : i32
        %add3A_12 = arith.constant 0 : i32
        %add3A_13 = arith.addi %add3A_12, %mul3A_11 : i32
        %get3A = arith.constant 0 : i32
        %get3A_14 = arith.index_cast %get3A : i32 to index
        %get3A_15 = arith.index_cast %add3A_13 : i32 to index
        %get3A_16 = tpu.vector_load %arg4[%get3A_14, %get3A_15] {strides = array<i32>} : memref<10x128xf32, #tpu.memory_space<vmem>>, vector<1x16xf32>,
        %get3A_17 = vector.shape_cast %get3A_16 : vector<1x16xf32> to vector<16xf32>
        %get3A_18 = arith.constant 1 : i32
        %get3A_19 = arith.index_cast %get3A_18 : i32 to index
        %get3A_20 = arith.index_cast %add3A_13 : i32 to index
        %get3A_21 = tpu.vector_load %arg4[%get3A_19, %get3A_20] {strides = array<i32>} : memref<10x128xf32, #tpu.memory_space<vmem>>, vector<1x16xf32>,
        %get3A_22 = vector.shape_cast %get3A_21 : vector<1x16xf32> to vector<16xf32>
        %gt3A = arith.cmpf ogt, %get3A_22, %get3A_17 : vector<16xf32>
        %get3A_23 = arith.constant 6 : i32
        %get3A_24 = arith.index_cast %get3A_23 : i32 to index
        %get3A_25 = arith.index_cast %add3A_13 : i32 to index
        %get3A_26 = tpu.vector_load %arg4[%get3A_24, %get3A_25] {strides = array<i32>} : memref<10x128xf32, #tpu.memory_space<vmem>>, vector<1x16xf32>,
        %get3A_27 = vector.shape_cast %get3A_26 : vector<1x16xf32> to vector<16xf32>
        %get3A_28 = arith.constant 2 : i32
        %get3A_29 = arith.index_cast %get3A_28 : i32 to index
        %get3A_30 = arith.index_cast %add3A_13 : i32 to index
        %get3A_31 = tpu.vector_load %arg4[%get3A_29, %get3A_30] {strides = array<i32>} : memref<10x128xf32, #tpu.memory_space<vmem>>, vector<1x16xf32>,
        %get3A_32 = vector.shape_cast %get3A_31 : vector<1x16xf32> to vector<16xf32>
        %select_n3A = arith.select %gt3A, %get3A_27, %get3A_32 : vector<16xi1>, vector<16xf32>
        %get3A_33 = arith.constant 7 : i32
        %get3A_34 = arith.index_cast %get3A_33 : i32 to index
        %get3A_35 = arith.index_cast %add3A_13 : i32 to index
        %get3A_36 = tpu.vector_load %arg4[%get3A_34, %get3A_35] {strides = array<i32>} : memref<10x128xf32, #tpu.memory_space<vmem>>, vector<1x16xf32>,
        %get3A_37 = vector.shape_cast %get3A_36 : vector<1x16xf32> to vector<16xf32>
        %get3A_38 = arith.constant 3 : i32
        %get3A_39 = arith.index_cast %get3A_38 : i32 to index
        %get3A_40 = arith.index_cast %add3A_13 : i32 to index
        %get3A_41 = tpu.vector_load %arg4[%get3A_39, %get3A_40] {strides = array<i32>} : memref<10x128xf32, #tpu.memory_space<vmem>>, vector<1x16xf32>,
        %get3A_42 = vector.shape_cast %get3A_41 : vector<1x16xf32> to vector<16xf32>
        %select_n3A_43 = arith.select %gt3A, %get3A_37, %get3A_42 : vector<16xi1>, vector<16xf32>
        %get3A_44 = arith.constant 8 : i32
        %get3A_45 = arith.index_cast %get3A_44 : i32 to index
        %get3A_46 = arith.index_cast %add3A_13 : i32 to index
        %get3A_47 = tpu.vector_load %arg4[%get3A_45, %get3A_46] {strides = array<i32>} : memref<10x128xf32, #tpu.memory_space<vmem>>, vector<1x16xf32>,
        %get3A_48 = vector.shape_cast %get3A_47 : vector<1x16xf32> to vector<16xf32>
        %get3A_49 = arith.constant 4 : i32
        %get3A_50 = arith.index_cast %get3A_49 : i32 to index
        %get3A_51 = arith.index_cast %add3A_13 : i32 to index
        %get3A_52 = tpu.vector_load %arg4[%get3A_50, %get3A_51] {strides = array<i32>} : memref<10x128xf32, #tpu.memory_space<vmem>>, vector<1x16xf32>,
        %get3A_53 = vector.shape_cast %get3A_52 : vector<1x16xf32> to vector<16xf32>
        %select_n3A_54 = arith.select %gt3A, %get3A_48, %get3A_53 : vector<16xi1>, vector<16xf32>
        %get3A_55 = arith.constant 9 : i32
        %get3A_56 = arith.index_cast %get3A_55 : i32 to index
        %get3A_57 = arith.index_cast %add3A_13 : i32 to index
        %get3A_58 = tpu.vector_load %arg4[%get3A_56, %get3A_57] {strides = array<i32>} : memref<10x128xf32, #tpu.memory_space<vmem>>, vector<1x16xf32>,
        %get3A_59 = vector.shape_cast %get3A_58 : vector<1x16xf32> to vector<16xf32>
        %get3A_60 = arith.constant 5 : i32
        %get3A_61 = arith.index_cast %get3A_60 : i32 to index
        %get3A_62 = arith.index_cast %add3A_13 : i32 to index
        %get3A_63 = tpu.vector_load %arg4[%get3A_61, %get3A_62] {strides = array<i32>} : memref<10x128xf32, #tpu.memory_space<vmem>>, vector<1x16xf32>,
        %get3A_64 = vector.shape_cast %get3A_63 : vector<1x16xf32> to vector<16xf32>
        %select_n3A_65 = arith.select %gt3A, %get3A_59, %get3A_64 : vector<16xi1>, vector<16xf32>
        %max3A = arith.maximumf %select_n3A, %select_n3A_43 : vector<16xf32>
        %max3A_66 = arith.maximumf %max3A, %select_n3A_54 : vector<16xf32>
        %max3A_67 = arith.maximumf %max3A_66, %select_n3A_65 : vector<16xf32>
        %sub3A = arith.subf %select_n3A, %max3A_67 : vector<16xf32>
        %exp3A = math.exp %sub3A : vector<16xf32>
        %sub3A_68 = arith.subf %select_n3A_43, %max3A_67 : vector<16xf32>
        %exp3A_69 = math.exp %sub3A_68 : vector<16xf32>
        %sub3A_70 = arith.subf %select_n3A_54, %max3A_67 : vector<16xf32>
        %exp3A_71 = math.exp %sub3A_70 : vector<16xf32>
        %sub3A_72 = arith.subf %select_n3A_65, %max3A_67 : vector<16xf32>
        %exp3A_73 = math.exp %sub3A_72 : vector<16xf32>
        %add3A_74 = arith.addf %exp3A, %exp3A_69 : vector<16xf32>
        %add3A_75 = arith.addf %add3A_74, %exp3A_71 : vector<16xf32>
        %add3A_76 = arith.addf %add3A_75, %exp3A_73 : vector<16xf32>
        %div3A = arith.divf %exp3A, %add3A_76 : vector<16xf32>
        %div3A_77 = arith.divf %exp3A_69, %add3A_76 : vector<16xf32>
        %div3A_78 = arith.divf %exp3A_71, %add3A_76 : vector<16xf32>
        %div3A_79 = arith.divf %exp3A_73, %add3A_76 : vector<16xf32>
        %broadcast_in_dim3A = arith.constant 0.000000e+00 : f32
        %broadcast_in_dim3A_80 = vector.broadcast %broadcast_in_dim3A : f32 to vector<16xf32>
        %add3A_81 = arith.constant 1.000000e+00 : f32
        %add3A_82 = vector.broadcast %add3A_81 : f32 to vector<16xf32>
        %add3A_83 = arith.addf %broadcast_in_dim3A_80, %add3A_82 : vector<16xf32>
        %gt3A_84 = arith.cmpf ogt, %div3A_77, %div3A : vector<16xf32>
        %select_n3A_85 = arith.select %gt3A_84, %add3A_83, %broadcast_in_dim3A_80 : vector<16xi1>, vector<16xf32>
        %add3A_86 = arith.addf %broadcast_in_dim3A_80, %select_n3A_85 : vector<16xf32>
        %gt3A_87 = arith.cmpf ogt, %div3A_78, %div3A : vector<16xf32>
        %select_n3A_88 = arith.select %gt3A_87, %add3A_83, %broadcast_in_dim3A_80 : vector<16xi1>, vector<16xf32>
        %add3A_89 = arith.addf %add3A_86, %select_n3A_88 : vector<16xf32>
        %gt3A_90 = arith.cmpf ogt, %div3A_79, %div3A : vector<16xf32>
        %select_n3A_91 = arith.select %gt3A_90, %add3A_83, %broadcast_in_dim3A_80 : vector<16xi1>, vector<16xf32>
        %add3A_92 = arith.addf %add3A_89, %select_n3A_91 : vector<16xf32>
        %lt3A_93 = arith.constant 2.000000e+00 : f32
        %lt3A_94 = vector.broadcast %lt3A_93 : f32 to vector<16xf32>
        %lt3A_95 = arith.cmpf olt, %add3A_92, %lt3A_94 : vector<16xf32>
        %select_n3A_96 = arith.select %lt3A_95, %div3A, %broadcast_in_dim3A_80 : vector<16xi1>, vector<16xf32>
        %select_n3A_97 = arith.select %gt3A, %broadcast_in_dim3A_80, %select_n3A_96 : vector<16xi1>, vector<16xf32>
        %swap3A = arith.constant 0 : i32
        %swap3A_98 = arith.index_cast %swap3A : i32 to index
        %swap3A_99 = arith.index_cast %add3A_13 : i32 to index
        %swap3A_100 = tpu.vector_load %arg5[%swap3A_98, %swap3A_99] {strides = array<i32>} : memref<8x128xf32, #tpu.memory_space<vmem>>, vector<1x16xf32>,
        %swap3A_101 = vector.shape_cast %swap3A_100 : vector<1x16xf32> to vector<16xf32>
        %swap3A_102 = vector.shape_cast %select_n3A_97 : vector<16xf32> to vector<1x16xf32>
        tpu.vector_store %arg5[%swap3A_98, %swap3A_99], %swap3A_102 {strides = array<i32>} : memref<8x128xf32, #tpu.memory_space<vmem>>, vector<1x16xf32>,
        %select_n3A_103 = arith.select %gt3A, %select_n3A_96, %broadcast_in_dim3A_80 : vector<16xi1>, vector<16xf32>
        %swap3A_104 = arith.constant 4 : i32
        %swap3A_105 = arith.index_cast %swap3A_104 : i32 to index
        %swap3A_106 = arith.index_cast %add3A_13 : i32 to index
        %swap3A_107 = tpu.vector_load %arg5[%swap3A_105, %swap3A_106] {strides = array<i32>} : memref<8x128xf32, #tpu.memory_space<vmem>>, vector<1x16xf32>,
        %swap3A_108 = vector.shape_cast %swap3A_107 : vector<1x16xf32> to vector<16xf32>
        %swap3A_109 = vector.shape_cast %select_n3A_103 : vector<16xf32> to vector<1x16xf32>
        tpu.vector_store %arg5[%swap3A_105, %swap3A_106], %swap3A_109 {strides = array<i32>} : memref<8x128xf32, #tpu.memory_space<vmem>>, vector<1x16xf32>,
        %ge3A = arith.cmpf oge, %div3A, %div3A_77 : vector<16xf32>
        %select_n3A_110 = arith.select %ge3A, %add3A_83, %broadcast_in_dim3A_80 : vector<16xi1>, vector<16xf32>
        %add3A_111 = arith.addf %broadcast_in_dim3A_80, %select_n3A_110 : vector<16xf32>
        %gt3A_112 = arith.cmpf ogt, %div3A_78, %div3A_77 : vector<16xf32>
        %select_n3A_113 = arith.select %gt3A_112, %add3A_83, %broadcast_in_dim3A_80 : vector<16xi1>, vector<16xf32>
        %add3A_114 = arith.addf %add3A_111, %select_n3A_113 : vector<16xf32>
        %gt3A_115 = arith.cmpf ogt, %div3A_79, %div3A_77 : vector<16xf32>
        %select_n3A_116 = arith.select %gt3A_115, %add3A_83, %broadcast_in_dim3A_80 : vector<16xi1>, vector<16xf32>
        %add3A_117 = arith.addf %add3A_114, %select_n3A_116 : vector<16xf32>
        %lt3A_118 = arith.constant 2.000000e+00 : f32
        %lt3A_119 = vector.broadcast %lt3A_118 : f32 to vector<16xf32>
        %lt3A_120 = arith.cmpf olt, %add3A_117, %lt3A_119 : vector<16xf32>
        %select_n3A_121 = arith.select %lt3A_120, %div3A_77, %broadcast_in_dim3A_80 : vector<16xi1>, vector<16xf32>
        %select_n3A_122 = arith.select %gt3A, %broadcast_in_dim3A_80, %select_n3A_121 : vector<16xi1>, vector<16xf32>
        %swap3A_123 = arith.constant 1 : i32
        %swap3A_124 = arith.index_cast %swap3A_123 : i32 to index
        %swap3A_125 = arith.index_cast %add3A_13 : i32 to index
        %swap3A_126 = tpu.vector_load %arg5[%swap3A_124, %swap3A_125] {strides = array<i32>} : memref<8x128xf32, #tpu.memory_space<vmem>>, vector<1x16xf32>,
        %swap3A_127 = vector.shape_cast %swap3A_126 : vector<1x16xf32> to vector<16xf32>
        %swap3A_128 = vector.shape_cast %select_n3A_122 : vector<16xf32> to vector<1x16xf32>
        tpu.vector_store %arg5[%swap3A_124, %swap3A_125], %swap3A_128 {strides = array<i32>} : memref<8x128xf32, #tpu.memory_space<vmem>>, vector<1x16xf32>,
        %select_n3A_129 = arith.select %gt3A, %select_n3A_121, %broadcast_in_dim3A_80 : vector<16xi1>, vector<16xf32>
        %swap3A_130 = arith.constant 5 : i32
        %swap3A_131 = arith.index_cast %swap3A_130 : i32 to index
        %swap3A_132 = arith.index_cast %add3A_13 : i32 to index
        %swap3A_133 = tpu.vector_load %arg5[%swap3A_131, %swap3A_132] {strides = array<i32>} : memref<8x128xf32, #tpu.memory_space<vmem>>, vector<1x16xf32>,
        %swap3A_134 = vector.shape_cast %swap3A_133 : vector<1x16xf32> to vector<16xf32>
        %swap3A_135 = vector.shape_cast %select_n3A_129 : vector<16xf32> to vector<1x16xf32>
        tpu.vector_store %arg5[%swap3A_131, %swap3A_132], %swap3A_135 {strides = array<i32>} : memref<8x128xf32, #tpu.memory_space<vmem>>, vector<1x16xf32>,
        %ge3A_136 = arith.cmpf oge, %div3A, %div3A_78 : vector<16xf32>
        %select_n3A_137 = arith.select %ge3A_136, %add3A_83, %broadcast_in_dim3A_80 : vector<16xi1>, vector<16xf32>
        %add3A_138 = arith.addf %broadcast_in_dim3A_80, %select_n3A_137 : vector<16xf32>
        %ge3A_139 = arith.cmpf oge, %div3A_77, %div3A_78 : vector<16xf32>
        %select_n3A_140 = arith.select %ge3A_139, %add3A_83, %broadcast_in_dim3A_80 : vector<16xi1>, vector<16xf32>
        %add3A_141 = arith.addf %add3A_138, %select_n3A_140 : vector<16xf32>
        %gt3A_142 = arith.cmpf ogt, %div3A_79, %div3A_78 : vector<16xf32>
        %select_n3A_143 = arith.select %gt3A_142, %add3A_83, %broadcast_in_dim3A_80 : vector<16xi1>, vector<16xf32>
        %add3A_144 = arith.addf %add3A_141, %select_n3A_143 : vector<16xf32>
        %lt3A_145 = arith.constant 2.000000e+00 : f32
        %lt3A_146 = vector.broadcast %lt3A_145 : f32 to vector<16xf32>
        %lt3A_147 = arith.cmpf olt, %add3A_144, %lt3A_146 : vector<16xf32>
        %select_n3A_148 = arith.select %lt3A_147, %div3A_78, %broadcast_in_dim3A_80 : vector<16xi1>, vector<16xf32>
        %select_n3A_149 = arith.select %gt3A, %broadcast_in_dim3A_80, %select_n3A_148 : vector<16xi1>, vector<16xf32>
        %swap3A_150 = arith.constant 2 : i32
        %swap3A_151 = arith.index_cast %swap3A_150 : i32 to index
        %swap3A_152 = arith.index_cast %add3A_13 : i32 to index
        %swap3A_153 = tpu.vector_load %arg5[%swap3A_151, %swap3A_152] {strides = array<i32>} : memref<8x128xf32, #tpu.memory_space<vmem>>, vector<1x16xf32>,
        %swap3A_154 = vector.shape_cast %swap3A_153 : vector<1x16xf32> to vector<16xf32>
        %swap3A_155 = vector.shape_cast %select_n3A_149 : vector<16xf32> to vector<1x16xf32>
        tpu.vector_store %arg5[%swap3A_151, %swap3A_152], %swap3A_155 {strides = array<i32>} : memref<8x128xf32, #tpu.memory_space<vmem>>, vector<1x16xf32>,
        %select_n3A_156 = arith.select %gt3A, %select_n3A_148, %broadcast_in_dim3A_80 : vector<16xi1>, vector<16xf32>
        %swap3A_157 = arith.constant 6 : i32
        %swap3A_158 = arith.index_cast %swap3A_157 : i32 to index
        %swap3A_159 = arith.index_cast %add3A_13 : i32 to index
        %swap3A_160 = tpu.vector_load %arg5[%swap3A_158, %swap3A_159] {strides = array<i32>} : memref<8x128xf32, #tpu.memory_space<vmem>>, vector<1x16xf32>,
        %swap3A_161 = vector.shape_cast %swap3A_160 : vector<1x16xf32> to vector<16xf32>
        %swap3A_162 = vector.shape_cast %select_n3A_156 : vector<16xf32> to vector<1x16xf32>
        tpu.vector_store %arg5[%swap3A_158, %swap3A_159], %swap3A_162 {strides = array<i32>} : memref<8x128xf32, #tpu.memory_space<vmem>>, vector<1x16xf32>,
        %ge3A_163 = arith.cmpf oge, %div3A, %div3A_79 : vector<16xf32>
        %select_n3A_164 = arith.select %ge3A_163, %add3A_83, %broadcast_in_dim3A_80 : vector<16xi1>, vector<16xf32>
        %add3A_165 = arith.addf %broadcast_in_dim3A_80, %select_n3A_164 : vector<16xf32>
        %ge3A_166 = arith.cmpf oge, %div3A_77, %div3A_79 : vector<16xf32>
        %select_n3A_167 = arith.select %ge3A_166, %add3A_83, %broadcast_in_dim3A_80 : vector<16xi1>, vector<16xf32>
        %add3A_168 = arith.addf %add3A_165, %select_n3A_167 : vector<16xf32>
        %ge3A_169 = arith.cmpf oge, %div3A_78, %div3A_79 : vector<16xf32>
        %select_n3A_170 = arith.select %ge3A_169, %add3A_83, %broadcast_in_dim3A_80 : vector<16xi1>, vector<16xf32>
        %add3A_171 = arith.addf %add3A_168, %select_n3A_170 : vector<16xf32>
        %lt3A_172 = arith.constant 2.000000e+00 : f32
        %lt3A_173 = vector.broadcast %lt3A_172 : f32 to vector<16xf32>
        %lt3A_174 = arith.cmpf olt, %add3A_171, %lt3A_173 : vector<16xf32>
        %select_n3A_175 = arith.select %lt3A_174, %div3A_79, %broadcast_in_dim3A_80 : vector<16xi1>, vector<16xf32>
        %select_n3A_176 = arith.select %gt3A, %broadcast_in_dim3A_80, %select_n3A_175 : vector<16xi1>, vector<16xf32>
        %swap3A_177 = arith.constant 3 : i32
        %swap3A_178 = arith.index_cast %swap3A_177 : i32 to index
        %swap3A_179 = arith.index_cast %add3A_13 : i32 to index
        %swap3A_180 = tpu.vector_load %arg5[%swap3A_178, %swap3A_179] {strides = array<i32>} : memref<8x128xf32, #tpu.memory_space<vmem>>, vector<1x16xf32>,
        %swap3A_181 = vector.shape_cast %swap3A_180 : vector<1x16xf32> to vector<16xf32>
        %swap3A_182 = vector.shape_cast %select_n3A_176 : vector<16xf32> to vector<1x16xf32>
        tpu.vector_store %arg5[%swap3A_178, %swap3A_179], %swap3A_182 {strides = array<i32>} : memref<8x128xf32, #tpu.memory_space<vmem>>, vector<1x16xf32>,
        %select_n3A_183 = arith.select %gt3A, %select_n3A_175, %broadcast_in_dim3A_80 : vector<16xi1>, vector<16xf32>
        %swap3A_184 = arith.constant 7 : i32
        %swap3A_185 = arith.index_cast %swap3A_184 : i32 to index
        %swap3A_186 = arith.index_cast %add3A_13 : i32 to index
        %swap3A_187 = tpu.vector_load %arg5[%swap3A_185, %swap3A_186] {strides = array<i32>} : memref<8x128xf32, #tpu.memory_space<vmem>>, vector<1x16xf32>,
        %swap3A_188 = vector.shape_cast %swap3A_187 : vector<1x16xf32> to vector<16xf32>
        %swap3A_189 = vector.shape_cast %select_n3A_183 : vector<16xf32> to vector<1x16xf32>
        tpu.vector_store %arg5[%swap3A_185, %swap3A_186], %swap3A_189 {strides = array<i32>} : memref<8x128xf32, #tpu.memory_space<vmem>>, vector<1x16xf32>,
      }
      %scan3A_8 = arith.constant 8 : i32
      "tpu.region"() ({
        %run_scoped3A = tpu.sem_alloc : memref<!tpu.dma_semaphore, #tpu.memory_space<semaphore_mem>>
        %dma_start3A = arith.constant 0 : i32
        %dma_start3A_9 = tpu.memref_slice %arg3[%dma_start3A, %mul3A_4] : memref<8x2048xf32, #tpu.memory_space<hbm>> -> memref<8x128xf32, #tpu.memory_space<hbm>>
        %dma_start3A_10 = arith.constant 0 : i32
        %dma_start3A_11 = tpu.memref_slice %arg3[%dma_start3A_10, %mul3A_4] : memref<8x2048xf32, #tpu.memory_space<hbm>> -> memref<8x128xf32, #tpu.memory_space<hbm>>
        tpu.enqueue_dma source(%arg5 : memref<8x128xf32, #tpu.memory_space<vmem>>) target(%dma_start3A_11 : memref<8x128xf32, #tpu.memory_space<hbm>>) target_semaphore(%run_scoped3A : memref<!tpu.dma_semaphore, #tpu.memory_space<semaphore_mem>>)
        %dma_wait3A = arith.constant 0 : i32
        %dma_wait3A_12 = tpu.memref_slice %arg3[%dma_wait3A, %mul3A_4] : memref<8x2048xf32, #tpu.memory_space<hbm>> -> memref<8x128xf32, #tpu.memory_space<hbm>>
        %dma_wait3A_13 = arith.constant 0 : i32
        %dma_wait3A_14 = tpu.memref_slice %arg3[%dma_wait3A_13, %mul3A_4] : memref<8x2048xf32, #tpu.memory_space<hbm>> -> memref<8x128xf32, #tpu.memory_space<hbm>>
        tpu.wait_dma2 semaphore(%run_scoped3A : memref<!tpu.dma_semaphore, #tpu.memory_space<semaphore_mem>>) src(%arg5 : memref<8x128xf32, #tpu.memory_space<vmem>>) dst(%dma_wait3A_14 : memref<8x128xf32, #tpu.memory_space<hbm>>)
        tpu.yield
      }) : () -> ()
    } else {
    }
    return
  }
}

module attributes {stable_mosaic.version = 14 : i64} {
  func.func @_gates_body(%arg0: i32, %arg1: memref<512x768xf32, #tpu.memory_space<vmem>>, %arg2: memref<1x768xf32, #tpu.memory_space<vmem>>, %arg3: memref<1x768xf32, #tpu.memory_space<vmem>>, %arg4: memref<10x768xf32, #tpu.memory_space<vmem>>, %arg5: memref<10x1xf32, #tpu.memory_space<vmem>>, %arg6: memref<10x512xf32, #tpu.memory_space<vmem>>) attributes {dimension_semantics = [#tpu.dimension_semantics<arbitrary>], iteration_bounds = array<i64: 4>, scalar_prefetch = 0 : i64, scratch_operands = 0 : i64, tpu.core_type = #tpu.core_type<tc>, window_params = [{transform_indices = @transform_0, window_bounds = array<i64: 512, 768>}, {pipeline_mode = #tpu.pipeline_mode<synchronous>, transform_indices = @transform_1, window_bounds = array<i64: 1, 768>}, {pipeline_mode = #tpu.pipeline_mode<synchronous>, transform_indices = @transform_2, window_bounds = array<i64: 1, 768>}, {pipeline_mode = #tpu.pipeline_mode<synchronous>, transform_indices = @transform_3, window_bounds = array<i64: 10, 768>}, {pipeline_mode = #tpu.pipeline_mode<synchronous>, transform_indices = @transform_4, window_bounds = array<i64: 10, 1>}, {transform_indices = @transform_5, window_bounds = array<i64: 10, 512>}]} {
    %get3A = arith.constant 0 : index
    %get3A_0 = arith.constant 0 : index
    %get3A_1 = vector.load %arg1[%get3A, %get3A_0] : memref<512x768xf32, #tpu.memory_space<vmem>>, vector<512x768xf32>
    %reduce_sum3A = arith.constant dense<0.000000e+00> : vector<512xf32>
    %reduce_sum3A_2 = vector.multi_reduction <add>, %get3A_1, %reduce_sum3A [1] : vector<512x768xf32> to vector<512xf32>
    %broadcast_in_dim3A = vector.shape_cast %reduce_sum3A_2 : vector<512xf32> to vector<512x1xf32>
    %div3A = arith.constant 7.680000e+02 : f32
    %div3A_3 = vector.broadcast %div3A : f32 to vector<512x1xf32>
    %div3A_4 = arith.divf %broadcast_in_dim3A, %div3A_3 : vector<512x1xf32>
    %sub3A = vector.broadcast %div3A_4 : vector<512x1xf32> to vector<512x768xf32>
    %sub3A_5 = arith.subf %get3A_1, %sub3A : vector<512x768xf32>
    %mul3A = arith.mulf %sub3A_5, %sub3A_5 : vector<512x768xf32>
    %reduce_sum3A_6 = arith.constant dense<0.000000e+00> : vector<512xf32>
    %reduce_sum3A_7 = vector.multi_reduction <add>, %mul3A, %reduce_sum3A_6 [1] : vector<512x768xf32> to vector<512xf32>
    %broadcast_in_dim3A_8 = vector.shape_cast %reduce_sum3A_7 : vector<512xf32> to vector<512x1xf32>
    %div3A_9 = arith.constant 7.680000e+02 : f32
    %div3A_10 = vector.broadcast %div3A_9 : f32 to vector<512x1xf32>
    %div3A_11 = arith.divf %broadcast_in_dim3A_8, %div3A_10 : vector<512x1xf32>
    %add3A = arith.constant 9.99999974E-6 : f32
    %add3A_12 = vector.broadcast %add3A : f32 to vector<512x1xf32>
    %add3A_13 = arith.addf %div3A_11, %add3A_12 : vector<512x1xf32>
    %sqrt3A = math.sqrt %add3A_13 : vector<512x1xf32>
    %div3A_14 = vector.broadcast %sqrt3A : vector<512x1xf32> to vector<512x768xf32>
    %div3A_15 = arith.divf %sub3A_5, %div3A_14 : vector<512x768xf32>
    %get3A_16 = arith.constant 0 : index
    %get3A_17 = arith.constant 0 : index
    %get3A_18 = vector.load %arg2[%get3A_16, %get3A_17] : memref<1x768xf32, #tpu.memory_space<vmem>>, vector<1x768xf32>
    %mul3A_19 = vector.broadcast %get3A_18 : vector<1x768xf32> to vector<512x768xf32>
    %mul3A_20 = arith.mulf %div3A_15, %mul3A_19 : vector<512x768xf32>
    %get3A_21 = arith.constant 0 : index
    %get3A_22 = arith.constant 0 : index
    %get3A_23 = vector.load %arg3[%get3A_21, %get3A_22] : memref<1x768xf32, #tpu.memory_space<vmem>>, vector<1x768xf32>
    %add3A_24 = vector.broadcast %get3A_23 : vector<1x768xf32> to vector<512x768xf32>
    %add3A_25 = arith.addf %mul3A_20, %add3A_24 : vector<512x768xf32>
    %get3A_26 = arith.constant 0 : index
    %get3A_27 = arith.constant 0 : index
    %get3A_28 = vector.load %arg4[%get3A_26, %get3A_27] : memref<10x768xf32, #tpu.memory_space<vmem>>, vector<10x768xf32>
    %dot_general3A = arith.constant dense<0.000000e+00> : vector<10x512xf32>
    %dot_general3A_29 = tpu.matmul %get3A_28, %add3A_25, %dot_general3A {dimension_numbers = #tpu.dot_dimension_numbers<[1], [1], [0], [0], [0, 0, 1, 0], [], []>, transpose_lhs_hint = false} : vector<10x768xf32>, vector<512x768xf32>, vector<10x512xf32> -> vector<10x512xf32>
    %get3A_30 = arith.constant 0 : index
    %get3A_31 = arith.constant 0 : index
    %get3A_32 = vector.load %arg5[%get3A_30, %get3A_31] : memref<10x1xf32, #tpu.memory_space<vmem>>, vector<10x1xf32>
    %add3A_33 = vector.broadcast %get3A_32 : vector<10x1xf32> to vector<10x512xf32>
    %add3A_34 = arith.addf %dot_general3A_29, %add3A_33 : vector<10x512xf32>
    %swap3A = arith.constant 0 : index
    %swap3A_35 = arith.constant 0 : index
    %swap3A_36 = vector.load %arg6[%swap3A, %swap3A_35] : memref<10x512xf32, #tpu.memory_space<vmem>>, vector<10x512xf32>
    tpu.vector_store %arg6[%swap3A, %swap3A_35], %add3A_34 {strides = array<i32>} : memref<10x512xf32, #tpu.memory_space<vmem>>, vector<10x512xf32>,
    return
  }
  func.func @transform_0(%arg0: i32) -> (i32, i32) {
    %c0_i32 = arith.constant 0 : i32
    %c0_i32_0 = arith.constant 0 : i32
    return %arg0, %c0_i32 : i32, i32
  }
  func.func @transform_1(%arg0: i32) -> (i32, i32) {
    %c0_i32 = arith.constant 0 : i32
    %c0_i32_0 = arith.constant 0 : i32
    %c0_i32_1 = arith.constant 0 : i32
    return %c0_i32, %c0_i32_0 : i32, i32
  }
  func.func @transform_2(%arg0: i32) -> (i32, i32) {
    %c0_i32 = arith.constant 0 : i32
    %c0_i32_0 = arith.constant 0 : i32
    %c0_i32_1 = arith.constant 0 : i32
    return %c0_i32, %c0_i32_0 : i32, i32
  }
  func.func @transform_3(%arg0: i32) -> (i32, i32) {
    %c0_i32 = arith.constant 0 : i32
    %c0_i32_0 = arith.constant 0 : i32
    %c0_i32_1 = arith.constant 0 : i32
    return %c0_i32, %c0_i32_0 : i32, i32
  }
  func.func @transform_4(%arg0: i32) -> (i32, i32) {
    %c0_i32 = arith.constant 0 : i32
    %c0_i32_0 = arith.constant 0 : i32
    %c0_i32_1 = arith.constant 0 : i32
    return %c0_i32, %c0_i32_0 : i32, i32
  }
  func.func @transform_5(%arg0: i32) -> (i32, i32) {
    %c0_i32 = arith.constant 0 : i32
    %c0_i32_0 = arith.constant 0 : i32
    return %c0_i32, %arg0 : i32, i32
  }
}

module attributes {stable_mosaic.version = 14 : i64} {
  func.func @_dense_body(%arg0: i32, %arg1: memref<512x768xf32, #tpu.memory_space<vmem>>, %arg2: memref<8x512xf32, #tpu.memory_space<vmem>>, %arg3: memref<1x768xf32, #tpu.memory_space<vmem>>, %arg4: memref<1x768xf32, #tpu.memory_space<vmem>>, %arg5: memref<1x768xf32, #tpu.memory_space<vmem>>, %arg6: memref<8x768xf32, #tpu.memory_space<vmem>>, %arg7: memref<768x1024xf32, #tpu.memory_space<vmem>>, %arg8: memref<2048x768xf32, #tpu.memory_space<any>>, %arg9: memref<2048x768xf32, #tpu.memory_space<any>>, %arg10: memref<8x768x1024xf32, #tpu.memory_space<any>>, %arg11: memref<512x768xf32, #tpu.memory_space<vmem>>, %arg12: memref<2048x768xf32, #tpu.memory_space<vmem>>, %arg13: memref<2048x768xf32, #tpu.memory_space<vmem>>, %arg14: memref<8x768x1024xf32, #tpu.memory_space<vmem>>, %arg15: memref<!tpu.dma_semaphore, #tpu.memory_space<semaphore_mem>>, %arg16: memref<!tpu.dma_semaphore, #tpu.memory_space<semaphore_mem>>, %arg17: memref<!tpu.dma_semaphore, #tpu.memory_space<semaphore_mem>>, %arg18: memref<!tpu.dma_semaphore, #tpu.memory_space<semaphore_mem>>) attributes {dimension_semantics = [#tpu.dimension_semantics<arbitrary>], iteration_bounds = array<i64: 4>, scalar_prefetch = 0 : i64, scratch_operands = 7 : i64, tpu.core_type = #tpu.core_type<tc>, window_params = [{transform_indices = @transform_0, window_bounds = array<i64: 512, 768>}, {transform_indices = @transform_1, window_bounds = array<i64: 8, 512>}, {pipeline_mode = #tpu.pipeline_mode<synchronous>, transform_indices = @transform_2, window_bounds = array<i64: 1, 768>}, {pipeline_mode = #tpu.pipeline_mode<synchronous>, transform_indices = @transform_3, window_bounds = array<i64: 1, 768>}, {pipeline_mode = #tpu.pipeline_mode<synchronous>, transform_indices = @transform_4, window_bounds = array<i64: 1, 768>}, {pipeline_mode = #tpu.pipeline_mode<synchronous>, transform_indices = @transform_5, window_bounds = array<i64: 8, 768>}, {pipeline_mode = #tpu.pipeline_mode<synchronous>, transform_indices = @transform_6, window_bounds = array<i64: 768, 1024>}, {}, {}, {}, {transform_indices = @transform_10, window_bounds = array<i64: 512, 768>}]} {
    %eq3A = arith.constant 0 : i32
    %eq3A_0 = arith.cmpi eq, %arg0, %eq3A : i32
    %convert_element_type3A = arith.extui %eq3A_0 : i1 to i32
    %cond3A = arith.constant 0 : i32
    %cond3A_1 = arith.cmpi ne, %convert_element_type3A, %cond3A : i32
    scf.if %cond3A_1 {
      tpu.enqueue_dma source(%arg8 : memref<2048x768xf32, #tpu.memory_space<any>>) target(%arg12 : memref<2048x768xf32, #tpu.memory_space<vmem>>) target_semaphore(%arg15 : memref<!tpu.dma_semaphore, #tpu.memory_space<semaphore_mem>>)
      tpu.enqueue_dma source(%arg9 : memref<2048x768xf32, #tpu.memory_space<any>>) target(%arg13 : memref<2048x768xf32, #tpu.memory_space<vmem>>) target_semaphore(%arg16 : memref<!tpu.dma_semaphore, #tpu.memory_space<semaphore_mem>>)
      %dma_start3A = arith.constant 0 : i32
      %dma_start3A_6 = arith.constant 0 : i32
      %dma_start3A_7 = arith.constant 0 : i32
      %dma_start3A_8 = tpu.memref_slice %arg14[%dma_start3A, %dma_start3A_6, %dma_start3A_7] : memref<8x768x1024xf32, #tpu.memory_space<vmem>> -> memref<4x768x1024xf32, #tpu.memory_space<vmem>>
      %dma_start3A_9 = arith.constant 0 : i32
      %dma_start3A_10 = arith.constant 0 : i32
      %dma_start3A_11 = arith.constant 0 : i32
      %dma_start3A_12 = tpu.memref_slice %arg10[%dma_start3A_9, %dma_start3A_10, %dma_start3A_11] : memref<8x768x1024xf32, #tpu.memory_space<any>> -> memref<4x768x1024xf32, #tpu.memory_space<any>>
      tpu.enqueue_dma source(%dma_start3A_12 : memref<4x768x1024xf32, #tpu.memory_space<any>>) target(%dma_start3A_8 : memref<4x768x1024xf32, #tpu.memory_space<vmem>>) target_semaphore(%arg17 : memref<!tpu.dma_semaphore, #tpu.memory_space<semaphore_mem>>)
      %dma_start3A_13 = arith.constant 4 : i32
      %dma_start3A_14 = arith.constant 0 : i32
      %dma_start3A_15 = arith.constant 0 : i32
      %dma_start3A_16 = tpu.memref_slice %arg14[%dma_start3A_13, %dma_start3A_14, %dma_start3A_15] : memref<8x768x1024xf32, #tpu.memory_space<vmem>> -> memref<4x768x1024xf32, #tpu.memory_space<vmem>>
      %dma_start3A_17 = arith.constant 4 : i32
      %dma_start3A_18 = arith.constant 0 : i32
      %dma_start3A_19 = arith.constant 0 : i32
      %dma_start3A_20 = tpu.memref_slice %arg10[%dma_start3A_17, %dma_start3A_18, %dma_start3A_19] : memref<8x768x1024xf32, #tpu.memory_space<any>> -> memref<4x768x1024xf32, #tpu.memory_space<any>>
      tpu.enqueue_dma source(%dma_start3A_20 : memref<4x768x1024xf32, #tpu.memory_space<any>>) target(%dma_start3A_16 : memref<4x768x1024xf32, #tpu.memory_space<vmem>>) target_semaphore(%arg18 : memref<!tpu.dma_semaphore, #tpu.memory_space<semaphore_mem>>)
      %get3A = arith.constant 0 : index
      %get3A_21 = arith.constant 0 : index
      %get3A_22 = vector.load %arg1[%get3A, %get3A_21] : memref<512x768xf32, #tpu.memory_space<vmem>>, vector<512x768xf32>
      %reduce_sum3A = arith.constant dense<0.000000e+00> : vector<512xf32>
      %reduce_sum3A_23 = vector.multi_reduction <add>, %get3A_22, %reduce_sum3A [1] : vector<512x768xf32> to vector<512xf32>
      %broadcast_in_dim3A = vector.shape_cast %reduce_sum3A_23 : vector<512xf32> to vector<512x1xf32>
      %div3A = arith.constant 7.680000e+02 : f32
      %div3A_24 = vector.broadcast %div3A : f32 to vector<512x1xf32>
      %div3A_25 = arith.divf %broadcast_in_dim3A, %div3A_24 : vector<512x1xf32>
      %sub3A = vector.broadcast %div3A_25 : vector<512x1xf32> to vector<512x768xf32>
      %sub3A_26 = arith.subf %get3A_22, %sub3A : vector<512x768xf32>
      %mul3A = arith.mulf %sub3A_26, %sub3A_26 : vector<512x768xf32>
      %reduce_sum3A_27 = arith.constant dense<0.000000e+00> : vector<512xf32>
      %reduce_sum3A_28 = vector.multi_reduction <add>, %mul3A, %reduce_sum3A_27 [1] : vector<512x768xf32> to vector<512xf32>
      %broadcast_in_dim3A_29 = vector.shape_cast %reduce_sum3A_28 : vector<512xf32> to vector<512x1xf32>
      %div3A_30 = arith.constant 7.680000e+02 : f32
      %div3A_31 = vector.broadcast %div3A_30 : f32 to vector<512x1xf32>
      %div3A_32 = arith.divf %broadcast_in_dim3A_29, %div3A_31 : vector<512x1xf32>
      %add3A = arith.constant 9.99999974E-6 : f32
      %add3A_33 = vector.broadcast %add3A : f32 to vector<512x1xf32>
      %add3A_34 = arith.addf %div3A_32, %add3A_33 : vector<512x1xf32>
      %sqrt3A = math.sqrt %add3A_34 : vector<512x1xf32>
      %div3A_35 = vector.broadcast %sqrt3A : vector<512x1xf32> to vector<512x768xf32>
      %div3A_36 = arith.divf %sub3A_26, %div3A_35 : vector<512x768xf32>
      %get3A_37 = arith.constant 0 : index
      %get3A_38 = arith.constant 0 : index
      %get3A_39 = vector.load %arg3[%get3A_37, %get3A_38] : memref<1x768xf32, #tpu.memory_space<vmem>>, vector<1x768xf32>
      %mul3A_40 = vector.broadcast %get3A_39 : vector<1x768xf32> to vector<512x768xf32>
      %mul3A_41 = arith.mulf %div3A_36, %mul3A_40 : vector<512x768xf32>
      %get3A_42 = arith.constant 0 : index
      %get3A_43 = arith.constant 0 : index
      %get3A_44 = vector.load %arg4[%get3A_42, %get3A_43] : memref<1x768xf32, #tpu.memory_space<vmem>>, vector<1x768xf32>
      %add3A_45 = vector.broadcast %get3A_44 : vector<1x768xf32> to vector<512x768xf32>
      %add3A_46 = arith.addf %mul3A_41, %add3A_45 : vector<512x768xf32>
      %get3A_47 = arith.constant 0 : index
      %get3A_48 = arith.constant 0 : index
      %get3A_49 = vector.load %arg2[%get3A_47, %get3A_48] : memref<8x512xf32, #tpu.memory_space<vmem>>, vector<8x512xf32>
      %transpose3A = tpu.transpose %get3A_49, [1, 0] : vector<8x512xf32> -> vector<512x8xf32>
      tpu.wait_dma2 semaphore(%arg15 : memref<!tpu.dma_semaphore, #tpu.memory_space<semaphore_mem>>) src(%arg8 : memref<2048x768xf32, #tpu.memory_space<any>>) dst(%arg12 : memref<2048x768xf32, #tpu.memory_space<vmem>>)
      %get3A_50 = arith.constant 0 : index
      %get3A_51 = arith.constant 0 : index
      %get3A_52 = vector.load %arg12[%get3A_50, %get3A_51] : memref<2048x768xf32, #tpu.memory_space<vmem>>, vector<1024x768xf32>
      %dot_general3A = arith.constant dense<0.000000e+00> : vector<512x1024xf32>
      %dot_general3A_53 = tpu.matmul %add3A_46, %get3A_52, %dot_general3A {dimension_numbers = #tpu.dot_dimension_numbers<[1], [1], [0], [0], [0, 0, 1, 0], [], []>, transpose_lhs_hint = false} : vector<512x768xf32>, vector<1024x768xf32>, vector<512x1024xf32> -> vector<512x1024xf32>
      %logistic3A = arith.negf %dot_general3A_53 : vector<512x1024xf32>
      %logistic3A_54 = math.exp %logistic3A : vector<512x1024xf32>
      %logistic3A_55 = arith.constant 1.000000e+00 : f32
      %logistic3A_56 = vector.broadcast %logistic3A_55 : f32 to vector<512x1024xf32>
      %logistic3A_57 = arith.addf %logistic3A_56, %logistic3A_54 : vector<512x1024xf32>
      %logistic3A_58 = arith.divf %logistic3A_56, %logistic3A_57 : vector<512x1024xf32>
      %mul3A_59 = arith.mulf %dot_general3A_53, %logistic3A_58 : vector<512x1024xf32>
      %get3A_60 = arith.constant 1024 : index
      %get3A_61 = arith.constant 0 : index
      %get3A_62 = vector.load %arg12[%get3A_60, %get3A_61] : memref<2048x768xf32, #tpu.memory_space<vmem>>, vector<1024x768xf32>
      %dot_general3A_63 = arith.constant dense<0.000000e+00> : vector<512x1024xf32>
      %dot_general3A_64 = tpu.matmul %add3A_46, %get3A_62, %dot_general3A_63 {dimension_numbers = #tpu.dot_dimension_numbers<[1], [1], [0], [0], [0, 0, 1, 0], [], []>, transpose_lhs_hint = false} : vector<512x768xf32>, vector<1024x768xf32>, vector<512x1024xf32> -> vector<512x1024xf32>
      %mul3A_65 = arith.mulf %mul3A_59, %dot_general3A_64 : vector<512x1024xf32>
      %get3A_66 = arith.constant 0 : index
      %get3A_67 = arith.constant 0 : index
      %get3A_68 = vector.load %arg7[%get3A_66, %get3A_67] : memref<768x1024xf32, #tpu.memory_space<vmem>>, vector<768x1024xf32>
      %dot_general3A_69 = arith.constant dense<0.000000e+00> : vector<512x768xf32>
      %dot_general3A_70 = tpu.matmul %mul3A_65, %get3A_68, %dot_general3A_69 {dimension_numbers = #tpu.dot_dimension_numbers<[1], [1], [0], [0], [0, 0, 1, 0], [], []>, transpose_lhs_hint = false} : vector<512x1024xf32>, vector<768x1024xf32>, vector<512x768xf32> -> vector<512x768xf32>
      %get3A_71 = arith.constant 0 : index
      %get3A_72 = arith.constant 0 : index
      %get3A_73 = vector.load %arg5[%get3A_71, %get3A_72] : memref<1x768xf32, #tpu.memory_space<vmem>>, vector<1x768xf32>
      %add3A_74 = vector.broadcast %get3A_73 : vector<1x768xf32> to vector<512x768xf32>
      %add3A_75 = arith.addf %dot_general3A_70, %add3A_74 : vector<512x768xf32>
      tpu.wait_dma2 semaphore(%arg16 : memref<!tpu.dma_semaphore, #tpu.memory_space<semaphore_mem>>) src(%arg9 : memref<2048x768xf32, #tpu.memory_space<any>>) dst(%arg13 : memref<2048x768xf32, #tpu.memory_space<vmem>>)
      %get3A_76 = arith.constant 0 : index
      %get3A_77 = arith.constant 0 : index
      %get3A_78 = vector.load %arg13[%get3A_76, %get3A_77] : memref<2048x768xf32, #tpu.memory_space<vmem>>, vector<1024x768xf32>
      %dot_general3A_79 = arith.constant dense<0.000000e+00> : vector<512x1024xf32>
      %dot_general3A_80 = tpu.matmul %add3A_46, %get3A_78, %dot_general3A_79 {dimension_numbers = #tpu.dot_dimension_numbers<[1], [1], [0], [0], [0, 0, 1, 0], [], []>, transpose_lhs_hint = false} : vector<512x768xf32>, vector<1024x768xf32>, vector<512x1024xf32> -> vector<512x1024xf32>
      %logistic3A_81 = arith.negf %dot_general3A_80 : vector<512x1024xf32>
      %logistic3A_82 = math.exp %logistic3A_81 : vector<512x1024xf32>
      %logistic3A_83 = arith.constant 1.000000e+00 : f32
      %logistic3A_84 = vector.broadcast %logistic3A_83 : f32 to vector<512x1024xf32>
      %logistic3A_85 = arith.addf %logistic3A_84, %logistic3A_82 : vector<512x1024xf32>
      %logistic3A_86 = arith.divf %logistic3A_84, %logistic3A_85 : vector<512x1024xf32>
      %mul3A_87 = arith.mulf %dot_general3A_80, %logistic3A_86 : vector<512x1024xf32>
      %get3A_88 = arith.constant 1024 : index
      %get3A_89 = arith.constant 0 : index
      %get3A_90 = vector.load %arg13[%get3A_88, %get3A_89] : memref<2048x768xf32, #tpu.memory_space<vmem>>, vector<1024x768xf32>
      %dot_general3A_91 = arith.constant dense<0.000000e+00> : vector<512x1024xf32>
      %dot_general3A_92 = tpu.matmul %add3A_46, %get3A_90, %dot_general3A_91 {dimension_numbers = #tpu.dot_dimension_numbers<[1], [1], [0], [0], [0, 0, 1, 0], [], []>, transpose_lhs_hint = false} : vector<512x768xf32>, vector<1024x768xf32>, vector<512x1024xf32> -> vector<512x1024xf32>
      %mul3A_93 = arith.mulf %mul3A_87, %dot_general3A_92 : vector<512x1024xf32>
      %dma_wait3A = arith.constant 0 : i32
      %dma_wait3A_94 = arith.constant 0 : i32
      %dma_wait3A_95 = arith.constant 0 : i32
      %dma_wait3A_96 = tpu.memref_slice %arg14[%dma_wait3A, %dma_wait3A_94, %dma_wait3A_95] : memref<8x768x1024xf32, #tpu.memory_space<vmem>> -> memref<4x768x1024xf32, #tpu.memory_space<vmem>>
      %dma_wait3A_97 = arith.constant 0 : i32
      %dma_wait3A_98 = arith.constant 0 : i32
      %dma_wait3A_99 = arith.constant 0 : i32
      %dma_wait3A_100 = tpu.memref_slice %arg10[%dma_wait3A_97, %dma_wait3A_98, %dma_wait3A_99] : memref<8x768x1024xf32, #tpu.memory_space<any>> -> memref<4x768x1024xf32, #tpu.memory_space<any>>
      tpu.wait_dma2 semaphore(%arg17 : memref<!tpu.dma_semaphore, #tpu.memory_space<semaphore_mem>>) src(%dma_wait3A_100 : memref<4x768x1024xf32, #tpu.memory_space<any>>) dst(%dma_wait3A_96 : memref<4x768x1024xf32, #tpu.memory_space<vmem>>)
      %slice3A = vector.extract_strided_slice %transpose3A {offsets = [0, 0], sizes = [512, 1], strides = [1, 1]} : vector<512x8xf32> to vector<512x1xf32>
      %get3A_101 = arith.constant 0 : index
      %get3A_102 = arith.constant 0 : index
      %get3A_103 = arith.constant 0 : index
      %get3A_104 = vector.load %arg14[%get3A_101, %get3A_102, %get3A_103] : memref<8x768x1024xf32, #tpu.memory_space<vmem>>, vector<1x768x1024xf32>
      %get3A_105 = vector.shape_cast %get3A_104 : vector<1x768x1024xf32> to vector<768x1024xf32>
      %dot_general3A_106 = arith.constant dense<0.000000e+00> : vector<512x768xf32>
      %dot_general3A_107 = tpu.matmul %mul3A_93, %get3A_105, %dot_general3A_106 {dimension_numbers = #tpu.dot_dimension_numbers<[1], [1], [0], [0], [0, 0, 1, 0], [], []>, transpose_lhs_hint = false} : vector<512x1024xf32>, vector<768x1024xf32>, vector<512x768xf32> -> vector<512x768xf32>
      %get3A_108 = arith.constant 0 : index
      %get3A_109 = arith.constant 0 : index
      %get3A_110 = vector.load %arg6[%get3A_108, %get3A_109] : memref<8x768xf32, #tpu.memory_space<vmem>>, vector<1x768xf32>
      %add3A_111 = vector.broadcast %get3A_110 : vector<1x768xf32> to vector<512x768xf32>
      %add3A_112 = arith.addf %dot_general3A_107, %add3A_111 : vector<512x768xf32>
      %mul3A_113 = vector.broadcast %slice3A : vector<512x1xf32> to vector<512x768xf32>
      %mul3A_114 = arith.mulf %mul3A_113, %add3A_112 : vector<512x768xf32>
      %add3A_115 = arith.addf %add3A_75, %mul3A_114 : vector<512x768xf32>
      %slice3A_116 = vector.extract_strided_slice %transpose3A {offsets = [0, 1], sizes = [512, 1], strides = [1, 1]} : vector<512x8xf32> to vector<512x1xf32>
      %get3A_117 = arith.constant 1 : index
      %get3A_118 = arith.constant 0 : index
      %get3A_119 = arith.constant 0 : index
      %get3A_120 = vector.load %arg14[%get3A_117, %get3A_118, %get3A_119] : memref<8x768x1024xf32, #tpu.memory_space<vmem>>, vector<1x768x1024xf32>
      %get3A_121 = vector.shape_cast %get3A_120 : vector<1x768x1024xf32> to vector<768x1024xf32>
      %dot_general3A_122 = arith.constant dense<0.000000e+00> : vector<512x768xf32>
      %dot_general3A_123 = tpu.matmul %mul3A_93, %get3A_121, %dot_general3A_122 {dimension_numbers = #tpu.dot_dimension_numbers<[1], [1], [0], [0], [0, 0, 1, 0], [], []>, transpose_lhs_hint = false} : vector<512x1024xf32>, vector<768x1024xf32>, vector<512x768xf32> -> vector<512x768xf32>
      %get3A_124 = arith.constant 1 : index
      %get3A_125 = arith.constant 0 : index
      %get3A_126 = vector.load %arg6[%get3A_124, %get3A_125] : memref<8x768xf32, #tpu.memory_space<vmem>>, vector<1x768xf32>
      %add3A_127 = vector.broadcast %get3A_126 : vector<1x768xf32> to vector<512x768xf32>
      %add3A_128 = arith.addf %dot_general3A_123, %add3A_127 : vector<512x768xf32>
      %mul3A_129 = vector.broadcast %slice3A_116 : vector<512x1xf32> to vector<512x768xf32>
      %mul3A_130 = arith.mulf %mul3A_129, %add3A_128 : vector<512x768xf32>
      %add3A_131 = arith.addf %add3A_115, %mul3A_130 : vector<512x768xf32>
      %slice3A_132 = vector.extract_strided_slice %transpose3A {offsets = [0, 2], sizes = [512, 1], strides = [1, 1]} : vector<512x8xf32> to vector<512x1xf32>
      %get3A_133 = arith.constant 2 : index
      %get3A_134 = arith.constant 0 : index
      %get3A_135 = arith.constant 0 : index
      %get3A_136 = vector.load %arg14[%get3A_133, %get3A_134, %get3A_135] : memref<8x768x1024xf32, #tpu.memory_space<vmem>>, vector<1x768x1024xf32>
      %get3A_137 = vector.shape_cast %get3A_136 : vector<1x768x1024xf32> to vector<768x1024xf32>
      %dot_general3A_138 = arith.constant dense<0.000000e+00> : vector<512x768xf32>
      %dot_general3A_139 = tpu.matmul %mul3A_93, %get3A_137, %dot_general3A_138 {dimension_numbers = #tpu.dot_dimension_numbers<[1], [1], [0], [0], [0, 0, 1, 0], [], []>, transpose_lhs_hint = false} : vector<512x1024xf32>, vector<768x1024xf32>, vector<512x768xf32> -> vector<512x768xf32>
      %get3A_140 = arith.constant 2 : index
      %get3A_141 = arith.constant 0 : index
      %get3A_142 = vector.load %arg6[%get3A_140, %get3A_141] : memref<8x768xf32, #tpu.memory_space<vmem>>, vector<1x768xf32>
      %add3A_143 = vector.broadcast %get3A_142 : vector<1x768xf32> to vector<512x768xf32>
      %add3A_144 = arith.addf %dot_general3A_139, %add3A_143 : vector<512x768xf32>
      %mul3A_145 = vector.broadcast %slice3A_132 : vector<512x1xf32> to vector<512x768xf32>
      %mul3A_146 = arith.mulf %mul3A_145, %add3A_144 : vector<512x768xf32>
      %add3A_147 = arith.addf %add3A_131, %mul3A_146 : vector<512x768xf32>
      %slice3A_148 = vector.extract_strided_slice %transpose3A {offsets = [0, 3], sizes = [512, 1], strides = [1, 1]} : vector<512x8xf32> to vector<512x1xf32>
      %get3A_149 = arith.constant 3 : index
      %get3A_150 = arith.constant 0 : index
      %get3A_151 = arith.constant 0 : index
      %get3A_152 = vector.load %arg14[%get3A_149, %get3A_150, %get3A_151] : memref<8x768x1024xf32, #tpu.memory_space<vmem>>, vector<1x768x1024xf32>
      %get3A_153 = vector.shape_cast %get3A_152 : vector<1x768x1024xf32> to vector<768x1024xf32>
      %dot_general3A_154 = arith.constant dense<0.000000e+00> : vector<512x768xf32>
      %dot_general3A_155 = tpu.matmul %mul3A_93, %get3A_153, %dot_general3A_154 {dimension_numbers = #tpu.dot_dimension_numbers<[1], [1], [0], [0], [0, 0, 1, 0], [], []>, transpose_lhs_hint = false} : vector<512x1024xf32>, vector<768x1024xf32>, vector<512x768xf32> -> vector<512x768xf32>
      %get3A_156 = arith.constant 3 : index
      %get3A_157 = arith.constant 0 : index
      %get3A_158 = vector.load %arg6[%get3A_156, %get3A_157] : memref<8x768xf32, #tpu.memory_space<vmem>>, vector<1x768xf32>
      %add3A_159 = vector.broadcast %get3A_158 : vector<1x768xf32> to vector<512x768xf32>
      %add3A_160 = arith.addf %dot_general3A_155, %add3A_159 : vector<512x768xf32>
      %mul3A_161 = vector.broadcast %slice3A_148 : vector<512x1xf32> to vector<512x768xf32>
      %mul3A_162 = arith.mulf %mul3A_161, %add3A_160 : vector<512x768xf32>
      %add3A_163 = arith.addf %add3A_147, %mul3A_162 : vector<512x768xf32>
      %dma_wait3A_164 = arith.constant 4 : i32
      %dma_wait3A_165 = arith.constant 0 : i32
      %dma_wait3A_166 = arith.constant 0 : i32
      %dma_wait3A_167 = tpu.memref_slice %arg14[%dma_wait3A_164, %dma_wait3A_165, %dma_wait3A_166] : memref<8x768x1024xf32, #tpu.memory_space<vmem>> -> memref<4x768x1024xf32, #tpu.memory_space<vmem>>
      %dma_wait3A_168 = arith.constant 4 : i32
      %dma_wait3A_169 = arith.constant 0 : i32
      %dma_wait3A_170 = arith.constant 0 : i32
      %dma_wait3A_171 = tpu.memref_slice %arg10[%dma_wait3A_168, %dma_wait3A_169, %dma_wait3A_170] : memref<8x768x1024xf32, #tpu.memory_space<any>> -> memref<4x768x1024xf32, #tpu.memory_space<any>>
      tpu.wait_dma2 semaphore(%arg18 : memref<!tpu.dma_semaphore, #tpu.memory_space<semaphore_mem>>) src(%dma_wait3A_171 : memref<4x768x1024xf32, #tpu.memory_space<any>>) dst(%dma_wait3A_167 : memref<4x768x1024xf32, #tpu.memory_space<vmem>>)
      %slice3A_172 = vector.extract_strided_slice %transpose3A {offsets = [0, 4], sizes = [512, 1], strides = [1, 1]} : vector<512x8xf32> to vector<512x1xf32>
      %get3A_173 = arith.constant 4 : index
      %get3A_174 = arith.constant 0 : index
      %get3A_175 = arith.constant 0 : index
      %get3A_176 = vector.load %arg14[%get3A_173, %get3A_174, %get3A_175] : memref<8x768x1024xf32, #tpu.memory_space<vmem>>, vector<1x768x1024xf32>
      %get3A_177 = vector.shape_cast %get3A_176 : vector<1x768x1024xf32> to vector<768x1024xf32>
      %dot_general3A_178 = arith.constant dense<0.000000e+00> : vector<512x768xf32>
      %dot_general3A_179 = tpu.matmul %mul3A_93, %get3A_177, %dot_general3A_178 {dimension_numbers = #tpu.dot_dimension_numbers<[1], [1], [0], [0], [0, 0, 1, 0], [], []>, transpose_lhs_hint = false} : vector<512x1024xf32>, vector<768x1024xf32>, vector<512x768xf32> -> vector<512x768xf32>
      %get3A_180 = arith.constant 4 : index
      %get3A_181 = arith.constant 0 : index
      %get3A_182 = vector.load %arg6[%get3A_180, %get3A_181] : memref<8x768xf32, #tpu.memory_space<vmem>>, vector<1x768xf32>
      %add3A_183 = vector.broadcast %get3A_182 : vector<1x768xf32> to vector<512x768xf32>
      %add3A_184 = arith.addf %dot_general3A_179, %add3A_183 : vector<512x768xf32>
      %mul3A_185 = vector.broadcast %slice3A_172 : vector<512x1xf32> to vector<512x768xf32>
      %mul3A_186 = arith.mulf %mul3A_185, %add3A_184 : vector<512x768xf32>
      %add3A_187 = arith.addf %add3A_163, %mul3A_186 : vector<512x768xf32>
      %slice3A_188 = vector.extract_strided_slice %transpose3A {offsets = [0, 5], sizes = [512, 1], strides = [1, 1]} : vector<512x8xf32> to vector<512x1xf32>
      %get3A_189 = arith.constant 5 : index
      %get3A_190 = arith.constant 0 : index
      %get3A_191 = arith.constant 0 : index
      %get3A_192 = vector.load %arg14[%get3A_189, %get3A_190, %get3A_191] : memref<8x768x1024xf32, #tpu.memory_space<vmem>>, vector<1x768x1024xf32>
      %get3A_193 = vector.shape_cast %get3A_192 : vector<1x768x1024xf32> to vector<768x1024xf32>
      %dot_general3A_194 = arith.constant dense<0.000000e+00> : vector<512x768xf32>
      %dot_general3A_195 = tpu.matmul %mul3A_93, %get3A_193, %dot_general3A_194 {dimension_numbers = #tpu.dot_dimension_numbers<[1], [1], [0], [0], [0, 0, 1, 0], [], []>, transpose_lhs_hint = false} : vector<512x1024xf32>, vector<768x1024xf32>, vector<512x768xf32> -> vector<512x768xf32>
      %get3A_196 = arith.constant 5 : index
      %get3A_197 = arith.constant 0 : index
      %get3A_198 = vector.load %arg6[%get3A_196, %get3A_197] : memref<8x768xf32, #tpu.memory_space<vmem>>, vector<1x768xf32>
      %add3A_199 = vector.broadcast %get3A_198 : vector<1x768xf32> to vector<512x768xf32>
      %add3A_200 = arith.addf %dot_general3A_195, %add3A_199 : vector<512x768xf32>
      %mul3A_201 = vector.broadcast %slice3A_188 : vector<512x1xf32> to vector<512x768xf32>
      %mul3A_202 = arith.mulf %mul3A_201, %add3A_200 : vector<512x768xf32>
      %add3A_203 = arith.addf %add3A_187, %mul3A_202 : vector<512x768xf32>
      %slice3A_204 = vector.extract_strided_slice %transpose3A {offsets = [0, 6], sizes = [512, 1], strides = [1, 1]} : vector<512x8xf32> to vector<512x1xf32>
      %get3A_205 = arith.constant 6 : index
      %get3A_206 = arith.constant 0 : index
      %get3A_207 = arith.constant 0 : index
      %get3A_208 = vector.load %arg14[%get3A_205, %get3A_206, %get3A_207] : memref<8x768x1024xf32, #tpu.memory_space<vmem>>, vector<1x768x1024xf32>
      %get3A_209 = vector.shape_cast %get3A_208 : vector<1x768x1024xf32> to vector<768x1024xf32>
      %dot_general3A_210 = arith.constant dense<0.000000e+00> : vector<512x768xf32>
      %dot_general3A_211 = tpu.matmul %mul3A_93, %get3A_209, %dot_general3A_210 {dimension_numbers = #tpu.dot_dimension_numbers<[1], [1], [0], [0], [0, 0, 1, 0], [], []>, transpose_lhs_hint = false} : vector<512x1024xf32>, vector<768x1024xf32>, vector<512x768xf32> -> vector<512x768xf32>
      %get3A_212 = arith.constant 6 : index
      %get3A_213 = arith.constant 0 : index
      %get3A_214 = vector.load %arg6[%get3A_212, %get3A_213] : memref<8x768xf32, #tpu.memory_space<vmem>>, vector<1x768xf32>
      %add3A_215 = vector.broadcast %get3A_214 : vector<1x768xf32> to vector<512x768xf32>
      %add3A_216 = arith.addf %dot_general3A_211, %add3A_215 : vector<512x768xf32>
      %mul3A_217 = vector.broadcast %slice3A_204 : vector<512x1xf32> to vector<512x768xf32>
      %mul3A_218 = arith.mulf %mul3A_217, %add3A_216 : vector<512x768xf32>
      %add3A_219 = arith.addf %add3A_203, %mul3A_218 : vector<512x768xf32>
      %slice3A_220 = vector.extract_strided_slice %transpose3A {offsets = [0, 7], sizes = [512, 1], strides = [1, 1]} : vector<512x8xf32> to vector<512x1xf32>
      %get3A_221 = arith.constant 7 : index
      %get3A_222 = arith.constant 0 : index
      %get3A_223 = arith.constant 0 : index
      %get3A_224 = vector.load %arg14[%get3A_221, %get3A_222, %get3A_223] : memref<8x768x1024xf32, #tpu.memory_space<vmem>>, vector<1x768x1024xf32>
      %get3A_225 = vector.shape_cast %get3A_224 : vector<1x768x1024xf32> to vector<768x1024xf32>
      %dot_general3A_226 = arith.constant dense<0.000000e+00> : vector<512x768xf32>
      %dot_general3A_227 = tpu.matmul %mul3A_93, %get3A_225, %dot_general3A_226 {dimension_numbers = #tpu.dot_dimension_numbers<[1], [1], [0], [0], [0, 0, 1, 0], [], []>, transpose_lhs_hint = false} : vector<512x1024xf32>, vector<768x1024xf32>, vector<512x768xf32> -> vector<512x768xf32>
      %get3A_228 = arith.constant 7 : index
      %get3A_229 = arith.constant 0 : index
      %get3A_230 = vector.load %arg6[%get3A_228, %get3A_229] : memref<8x768xf32, #tpu.memory_space<vmem>>, vector<1x768xf32>
      %add3A_231 = vector.broadcast %get3A_230 : vector<1x768xf32> to vector<512x768xf32>
      %add3A_232 = arith.addf %dot_general3A_227, %add3A_231 : vector<512x768xf32>
      %mul3A_233 = vector.broadcast %slice3A_220 : vector<512x1xf32> to vector<512x768xf32>
      %mul3A_234 = arith.mulf %mul3A_233, %add3A_232 : vector<512x768xf32>
      %add3A_235 = arith.addf %add3A_219, %mul3A_234 : vector<512x768xf32>
      %swap3A = arith.constant 0 : index
      %swap3A_236 = arith.constant 0 : index
      %swap3A_237 = vector.load %arg11[%swap3A, %swap3A_236] : memref<512x768xf32, #tpu.memory_space<vmem>>, vector<512x768xf32>
      tpu.vector_store %arg11[%swap3A, %swap3A_236], %add3A_235 {strides = array<i32>} : memref<512x768xf32, #tpu.memory_space<vmem>>, vector<512x768xf32>,
    } else {
    }
    %ne3A = arith.constant 0 : i32
    %ne3A_2 = arith.cmpi ne, %arg0, %ne3A : i32
    %convert_element_type3A_3 = arith.extui %ne3A_2 : i1 to i32
    %cond3A_4 = arith.constant 0 : i32
    %cond3A_5 = arith.cmpi ne, %convert_element_type3A_3, %cond3A_4 : i32
    scf.if %cond3A_5 {
      %get3A = arith.constant 0 : index
      %get3A_6 = arith.constant 0 : index
      %get3A_7 = vector.load %arg1[%get3A, %get3A_6] : memref<512x768xf32, #tpu.memory_space<vmem>>, vector<512x768xf32>
      %reduce_sum3A = arith.constant dense<0.000000e+00> : vector<512xf32>
      %reduce_sum3A_8 = vector.multi_reduction <add>, %get3A_7, %reduce_sum3A [1] : vector<512x768xf32> to vector<512xf32>
      %broadcast_in_dim3A = vector.shape_cast %reduce_sum3A_8 : vector<512xf32> to vector<512x1xf32>
      %div3A = arith.constant 7.680000e+02 : f32
      %div3A_9 = vector.broadcast %div3A : f32 to vector<512x1xf32>
      %div3A_10 = arith.divf %broadcast_in_dim3A, %div3A_9 : vector<512x1xf32>
      %sub3A = vector.broadcast %div3A_10 : vector<512x1xf32> to vector<512x768xf32>
      %sub3A_11 = arith.subf %get3A_7, %sub3A : vector<512x768xf32>
      %mul3A = arith.mulf %sub3A_11, %sub3A_11 : vector<512x768xf32>
      %reduce_sum3A_12 = arith.constant dense<0.000000e+00> : vector<512xf32>
      %reduce_sum3A_13 = vector.multi_reduction <add>, %mul3A, %reduce_sum3A_12 [1] : vector<512x768xf32> to vector<512xf32>
      %broadcast_in_dim3A_14 = vector.shape_cast %reduce_sum3A_13 : vector<512xf32> to vector<512x1xf32>
      %div3A_15 = arith.constant 7.680000e+02 : f32
      %div3A_16 = vector.broadcast %div3A_15 : f32 to vector<512x1xf32>
      %div3A_17 = arith.divf %broadcast_in_dim3A_14, %div3A_16 : vector<512x1xf32>
      %add3A = arith.constant 9.99999974E-6 : f32
      %add3A_18 = vector.broadcast %add3A : f32 to vector<512x1xf32>
      %add3A_19 = arith.addf %div3A_17, %add3A_18 : vector<512x1xf32>
      %sqrt3A = math.sqrt %add3A_19 : vector<512x1xf32>
      %div3A_20 = vector.broadcast %sqrt3A : vector<512x1xf32> to vector<512x768xf32>
      %div3A_21 = arith.divf %sub3A_11, %div3A_20 : vector<512x768xf32>
      %get3A_22 = arith.constant 0 : index
      %get3A_23 = arith.constant 0 : index
      %get3A_24 = vector.load %arg3[%get3A_22, %get3A_23] : memref<1x768xf32, #tpu.memory_space<vmem>>, vector<1x768xf32>
      %mul3A_25 = vector.broadcast %get3A_24 : vector<1x768xf32> to vector<512x768xf32>
      %mul3A_26 = arith.mulf %div3A_21, %mul3A_25 : vector<512x768xf32>
      %get3A_27 = arith.constant 0 : index
      %get3A_28 = arith.constant 0 : index
      %get3A_29 = vector.load %arg4[%get3A_27, %get3A_28] : memref<1x768xf32, #tpu.memory_space<vmem>>, vector<1x768xf32>
      %add3A_30 = vector.broadcast %get3A_29 : vector<1x768xf32> to vector<512x768xf32>
      %add3A_31 = arith.addf %mul3A_26, %add3A_30 : vector<512x768xf32>
      %get3A_32 = arith.constant 0 : index
      %get3A_33 = arith.constant 0 : index
      %get3A_34 = vector.load %arg2[%get3A_32, %get3A_33] : memref<8x512xf32, #tpu.memory_space<vmem>>, vector<8x512xf32>
      %transpose3A = tpu.transpose %get3A_34, [1, 0] : vector<8x512xf32> -> vector<512x8xf32>
      %get3A_35 = arith.constant 0 : index
      %get3A_36 = arith.constant 0 : index
      %get3A_37 = vector.load %arg12[%get3A_35, %get3A_36] : memref<2048x768xf32, #tpu.memory_space<vmem>>, vector<1024x768xf32>
      %dot_general3A = arith.constant dense<0.000000e+00> : vector<512x1024xf32>
      %dot_general3A_38 = tpu.matmul %add3A_31, %get3A_37, %dot_general3A {dimension_numbers = #tpu.dot_dimension_numbers<[1], [1], [0], [0], [0, 0, 1, 0], [], []>, transpose_lhs_hint = false} : vector<512x768xf32>, vector<1024x768xf32>, vector<512x1024xf32> -> vector<512x1024xf32>
      %logistic3A = arith.negf %dot_general3A_38 : vector<512x1024xf32>
      %logistic3A_39 = math.exp %logistic3A : vector<512x1024xf32>
      %logistic3A_40 = arith.constant 1.000000e+00 : f32
      %logistic3A_41 = vector.broadcast %logistic3A_40 : f32 to vector<512x1024xf32>
      %logistic3A_42 = arith.addf %logistic3A_41, %logistic3A_39 : vector<512x1024xf32>
      %logistic3A_43 = arith.divf %logistic3A_41, %logistic3A_42 : vector<512x1024xf32>
      %mul3A_44 = arith.mulf %dot_general3A_38, %logistic3A_43 : vector<512x1024xf32>
      %get3A_45 = arith.constant 1024 : index
      %get3A_46 = arith.constant 0 : index
      %get3A_47 = vector.load %arg12[%get3A_45, %get3A_46] : memref<2048x768xf32, #tpu.memory_space<vmem>>, vector<1024x768xf32>
      %dot_general3A_48 = arith.constant dense<0.000000e+00> : vector<512x1024xf32>
      %dot_general3A_49 = tpu.matmul %add3A_31, %get3A_47, %dot_general3A_48 {dimension_numbers = #tpu.dot_dimension_numbers<[1], [1], [0], [0], [0, 0, 1, 0], [], []>, transpose_lhs_hint = false} : vector<512x768xf32>, vector<1024x768xf32>, vector<512x1024xf32> -> vector<512x1024xf32>
      %mul3A_50 = arith.mulf %mul3A_44, %dot_general3A_49 : vector<512x1024xf32>
      %get3A_51 = arith.constant 0 : index
      %get3A_52 = arith.constant 0 : index
      %get3A_53 = vector.load %arg7[%get3A_51, %get3A_52] : memref<768x1024xf32, #tpu.memory_space<vmem>>, vector<768x1024xf32>
      %dot_general3A_54 = arith.constant dense<0.000000e+00> : vector<512x768xf32>
      %dot_general3A_55 = tpu.matmul %mul3A_50, %get3A_53, %dot_general3A_54 {dimension_numbers = #tpu.dot_dimension_numbers<[1], [1], [0], [0], [0, 0, 1, 0], [], []>, transpose_lhs_hint = false} : vector<512x1024xf32>, vector<768x1024xf32>, vector<512x768xf32> -> vector<512x768xf32>
      %get3A_56 = arith.constant 0 : index
      %get3A_57 = arith.constant 0 : index
      %get3A_58 = vector.load %arg5[%get3A_56, %get3A_57] : memref<1x768xf32, #tpu.memory_space<vmem>>, vector<1x768xf32>
      %add3A_59 = vector.broadcast %get3A_58 : vector<1x768xf32> to vector<512x768xf32>
      %add3A_60 = arith.addf %dot_general3A_55, %add3A_59 : vector<512x768xf32>
      %get3A_61 = arith.constant 0 : index
      %get3A_62 = arith.constant 0 : index
      %get3A_63 = vector.load %arg13[%get3A_61, %get3A_62] : memref<2048x768xf32, #tpu.memory_space<vmem>>, vector<1024x768xf32>
      %dot_general3A_64 = arith.constant dense<0.000000e+00> : vector<512x1024xf32>
      %dot_general3A_65 = tpu.matmul %add3A_31, %get3A_63, %dot_general3A_64 {dimension_numbers = #tpu.dot_dimension_numbers<[1], [1], [0], [0], [0, 0, 1, 0], [], []>, transpose_lhs_hint = false} : vector<512x768xf32>, vector<1024x768xf32>, vector<512x1024xf32> -> vector<512x1024xf32>
      %logistic3A_66 = arith.negf %dot_general3A_65 : vector<512x1024xf32>
      %logistic3A_67 = math.exp %logistic3A_66 : vector<512x1024xf32>
      %logistic3A_68 = arith.constant 1.000000e+00 : f32
      %logistic3A_69 = vector.broadcast %logistic3A_68 : f32 to vector<512x1024xf32>
      %logistic3A_70 = arith.addf %logistic3A_69, %logistic3A_67 : vector<512x1024xf32>
      %logistic3A_71 = arith.divf %logistic3A_69, %logistic3A_70 : vector<512x1024xf32>
      %mul3A_72 = arith.mulf %dot_general3A_65, %logistic3A_71 : vector<512x1024xf32>
      %get3A_73 = arith.constant 1024 : index
      %get3A_74 = arith.constant 0 : index
      %get3A_75 = vector.load %arg13[%get3A_73, %get3A_74] : memref<2048x768xf32, #tpu.memory_space<vmem>>, vector<1024x768xf32>
      %dot_general3A_76 = arith.constant dense<0.000000e+00> : vector<512x1024xf32>
      %dot_general3A_77 = tpu.matmul %add3A_31, %get3A_75, %dot_general3A_76 {dimension_numbers = #tpu.dot_dimension_numbers<[1], [1], [0], [0], [0, 0, 1, 0], [], []>, transpose_lhs_hint = false} : vector<512x768xf32>, vector<1024x768xf32>, vector<512x1024xf32> -> vector<512x1024xf32>
      %mul3A_78 = arith.mulf %mul3A_72, %dot_general3A_77 : vector<512x1024xf32>
      %slice3A = vector.extract_strided_slice %transpose3A {offsets = [0, 0], sizes = [512, 1], strides = [1, 1]} : vector<512x8xf32> to vector<512x1xf32>
      %get3A_79 = arith.constant 0 : index
      %get3A_80 = arith.constant 0 : index
      %get3A_81 = arith.constant 0 : index
      %get3A_82 = vector.load %arg14[%get3A_79, %get3A_80, %get3A_81] : memref<8x768x1024xf32, #tpu.memory_space<vmem>>, vector<1x768x1024xf32>
      %get3A_83 = vector.shape_cast %get3A_82 : vector<1x768x1024xf32> to vector<768x1024xf32>
      %dot_general3A_84 = arith.constant dense<0.000000e+00> : vector<512x768xf32>
      %dot_general3A_85 = tpu.matmul %mul3A_78, %get3A_83, %dot_general3A_84 {dimension_numbers = #tpu.dot_dimension_numbers<[1], [1], [0], [0], [0, 0, 1, 0], [], []>, transpose_lhs_hint = false} : vector<512x1024xf32>, vector<768x1024xf32>, vector<512x768xf32> -> vector<512x768xf32>
      %get3A_86 = arith.constant 0 : index
      %get3A_87 = arith.constant 0 : index
      %get3A_88 = vector.load %arg6[%get3A_86, %get3A_87] : memref<8x768xf32, #tpu.memory_space<vmem>>, vector<1x768xf32>
      %add3A_89 = vector.broadcast %get3A_88 : vector<1x768xf32> to vector<512x768xf32>
      %add3A_90 = arith.addf %dot_general3A_85, %add3A_89 : vector<512x768xf32>
      %mul3A_91 = vector.broadcast %slice3A : vector<512x1xf32> to vector<512x768xf32>
      %mul3A_92 = arith.mulf %mul3A_91, %add3A_90 : vector<512x768xf32>
      %add3A_93 = arith.addf %add3A_60, %mul3A_92 : vector<512x768xf32>
      %slice3A_94 = vector.extract_strided_slice %transpose3A {offsets = [0, 1], sizes = [512, 1], strides = [1, 1]} : vector<512x8xf32> to vector<512x1xf32>
      %get3A_95 = arith.constant 1 : index
      %get3A_96 = arith.constant 0 : index
      %get3A_97 = arith.constant 0 : index
      %get3A_98 = vector.load %arg14[%get3A_95, %get3A_96, %get3A_97] : memref<8x768x1024xf32, #tpu.memory_space<vmem>>, vector<1x768x1024xf32>
      %get3A_99 = vector.shape_cast %get3A_98 : vector<1x768x1024xf32> to vector<768x1024xf32>
      %dot_general3A_100 = arith.constant dense<0.000000e+00> : vector<512x768xf32>
      %dot_general3A_101 = tpu.matmul %mul3A_78, %get3A_99, %dot_general3A_100 {dimension_numbers = #tpu.dot_dimension_numbers<[1], [1], [0], [0], [0, 0, 1, 0], [], []>, transpose_lhs_hint = false} : vector<512x1024xf32>, vector<768x1024xf32>, vector<512x768xf32> -> vector<512x768xf32>
      %get3A_102 = arith.constant 1 : index
      %get3A_103 = arith.constant 0 : index
      %get3A_104 = vector.load %arg6[%get3A_102, %get3A_103] : memref<8x768xf32, #tpu.memory_space<vmem>>, vector<1x768xf32>
      %add3A_105 = vector.broadcast %get3A_104 : vector<1x768xf32> to vector<512x768xf32>
      %add3A_106 = arith.addf %dot_general3A_101, %add3A_105 : vector<512x768xf32>
      %mul3A_107 = vector.broadcast %slice3A_94 : vector<512x1xf32> to vector<512x768xf32>
      %mul3A_108 = arith.mulf %mul3A_107, %add3A_106 : vector<512x768xf32>
      %add3A_109 = arith.addf %add3A_93, %mul3A_108 : vector<512x768xf32>
      %slice3A_110 = vector.extract_strided_slice %transpose3A {offsets = [0, 2], sizes = [512, 1], strides = [1, 1]} : vector<512x8xf32> to vector<512x1xf32>
      %get3A_111 = arith.constant 2 : index
      %get3A_112 = arith.constant 0 : index
      %get3A_113 = arith.constant 0 : index
      %get3A_114 = vector.load %arg14[%get3A_111, %get3A_112, %get3A_113] : memref<8x768x1024xf32, #tpu.memory_space<vmem>>, vector<1x768x1024xf32>
      %get3A_115 = vector.shape_cast %get3A_114 : vector<1x768x1024xf32> to vector<768x1024xf32>
      %dot_general3A_116 = arith.constant dense<0.000000e+00> : vector<512x768xf32>
      %dot_general3A_117 = tpu.matmul %mul3A_78, %get3A_115, %dot_general3A_116 {dimension_numbers = #tpu.dot_dimension_numbers<[1], [1], [0], [0], [0, 0, 1, 0], [], []>, transpose_lhs_hint = false} : vector<512x1024xf32>, vector<768x1024xf32>, vector<512x768xf32> -> vector<512x768xf32>
      %get3A_118 = arith.constant 2 : index
      %get3A_119 = arith.constant 0 : index
      %get3A_120 = vector.load %arg6[%get3A_118, %get3A_119] : memref<8x768xf32, #tpu.memory_space<vmem>>, vector<1x768xf32>
      %add3A_121 = vector.broadcast %get3A_120 : vector<1x768xf32> to vector<512x768xf32>
      %add3A_122 = arith.addf %dot_general3A_117, %add3A_121 : vector<512x768xf32>
      %mul3A_123 = vector.broadcast %slice3A_110 : vector<512x1xf32> to vector<512x768xf32>
      %mul3A_124 = arith.mulf %mul3A_123, %add3A_122 : vector<512x768xf32>
      %add3A_125 = arith.addf %add3A_109, %mul3A_124 : vector<512x768xf32>
      %slice3A_126 = vector.extract_strided_slice %transpose3A {offsets = [0, 3], sizes = [512, 1], strides = [1, 1]} : vector<512x8xf32> to vector<512x1xf32>
      %get3A_127 = arith.constant 3 : index
      %get3A_128 = arith.constant 0 : index
      %get3A_129 = arith.constant 0 : index
      %get3A_130 = vector.load %arg14[%get3A_127, %get3A_128, %get3A_129] : memref<8x768x1024xf32, #tpu.memory_space<vmem>>, vector<1x768x1024xf32>
      %get3A_131 = vector.shape_cast %get3A_130 : vector<1x768x1024xf32> to vector<768x1024xf32>
      %dot_general3A_132 = arith.constant dense<0.000000e+00> : vector<512x768xf32>
      %dot_general3A_133 = tpu.matmul %mul3A_78, %get3A_131, %dot_general3A_132 {dimension_numbers = #tpu.dot_dimension_numbers<[1], [1], [0], [0], [0, 0, 1, 0], [], []>, transpose_lhs_hint = false} : vector<512x1024xf32>, vector<768x1024xf32>, vector<512x768xf32> -> vector<512x768xf32>
      %get3A_134 = arith.constant 3 : index
      %get3A_135 = arith.constant 0 : index
      %get3A_136 = vector.load %arg6[%get3A_134, %get3A_135] : memref<8x768xf32, #tpu.memory_space<vmem>>, vector<1x768xf32>
      %add3A_137 = vector.broadcast %get3A_136 : vector<1x768xf32> to vector<512x768xf32>
      %add3A_138 = arith.addf %dot_general3A_133, %add3A_137 : vector<512x768xf32>
      %mul3A_139 = vector.broadcast %slice3A_126 : vector<512x1xf32> to vector<512x768xf32>
      %mul3A_140 = arith.mulf %mul3A_139, %add3A_138 : vector<512x768xf32>
      %add3A_141 = arith.addf %add3A_125, %mul3A_140 : vector<512x768xf32>
      %slice3A_142 = vector.extract_strided_slice %transpose3A {offsets = [0, 4], sizes = [512, 1], strides = [1, 1]} : vector<512x8xf32> to vector<512x1xf32>
      %get3A_143 = arith.constant 4 : index
      %get3A_144 = arith.constant 0 : index
      %get3A_145 = arith.constant 0 : index
      %get3A_146 = vector.load %arg14[%get3A_143, %get3A_144, %get3A_145] : memref<8x768x1024xf32, #tpu.memory_space<vmem>>, vector<1x768x1024xf32>
      %get3A_147 = vector.shape_cast %get3A_146 : vector<1x768x1024xf32> to vector<768x1024xf32>
      %dot_general3A_148 = arith.constant dense<0.000000e+00> : vector<512x768xf32>
      %dot_general3A_149 = tpu.matmul %mul3A_78, %get3A_147, %dot_general3A_148 {dimension_numbers = #tpu.dot_dimension_numbers<[1], [1], [0], [0], [0, 0, 1, 0], [], []>, transpose_lhs_hint = false} : vector<512x1024xf32>, vector<768x1024xf32>, vector<512x768xf32> -> vector<512x768xf32>
      %get3A_150 = arith.constant 4 : index
      %get3A_151 = arith.constant 0 : index
      %get3A_152 = vector.load %arg6[%get3A_150, %get3A_151] : memref<8x768xf32, #tpu.memory_space<vmem>>, vector<1x768xf32>
      %add3A_153 = vector.broadcast %get3A_152 : vector<1x768xf32> to vector<512x768xf32>
      %add3A_154 = arith.addf %dot_general3A_149, %add3A_153 : vector<512x768xf32>
      %mul3A_155 = vector.broadcast %slice3A_142 : vector<512x1xf32> to vector<512x768xf32>
      %mul3A_156 = arith.mulf %mul3A_155, %add3A_154 : vector<512x768xf32>
      %add3A_157 = arith.addf %add3A_141, %mul3A_156 : vector<512x768xf32>
      %slice3A_158 = vector.extract_strided_slice %transpose3A {offsets = [0, 5], sizes = [512, 1], strides = [1, 1]} : vector<512x8xf32> to vector<512x1xf32>
      %get3A_159 = arith.constant 5 : index
      %get3A_160 = arith.constant 0 : index
      %get3A_161 = arith.constant 0 : index
      %get3A_162 = vector.load %arg14[%get3A_159, %get3A_160, %get3A_161] : memref<8x768x1024xf32, #tpu.memory_space<vmem>>, vector<1x768x1024xf32>
      %get3A_163 = vector.shape_cast %get3A_162 : vector<1x768x1024xf32> to vector<768x1024xf32>
      %dot_general3A_164 = arith.constant dense<0.000000e+00> : vector<512x768xf32>
      %dot_general3A_165 = tpu.matmul %mul3A_78, %get3A_163, %dot_general3A_164 {dimension_numbers = #tpu.dot_dimension_numbers<[1], [1], [0], [0], [0, 0, 1, 0], [], []>, transpose_lhs_hint = false} : vector<512x1024xf32>, vector<768x1024xf32>, vector<512x768xf32> -> vector<512x768xf32>
      %get3A_166 = arith.constant 5 : index
      %get3A_167 = arith.constant 0 : index
      %get3A_168 = vector.load %arg6[%get3A_166, %get3A_167] : memref<8x768xf32, #tpu.memory_space<vmem>>, vector<1x768xf32>
      %add3A_169 = vector.broadcast %get3A_168 : vector<1x768xf32> to vector<512x768xf32>
      %add3A_170 = arith.addf %dot_general3A_165, %add3A_169 : vector<512x768xf32>
      %mul3A_171 = vector.broadcast %slice3A_158 : vector<512x1xf32> to vector<512x768xf32>
      %mul3A_172 = arith.mulf %mul3A_171, %add3A_170 : vector<512x768xf32>
      %add3A_173 = arith.addf %add3A_157, %mul3A_172 : vector<512x768xf32>
      %slice3A_174 = vector.extract_strided_slice %transpose3A {offsets = [0, 6], sizes = [512, 1], strides = [1, 1]} : vector<512x8xf32> to vector<512x1xf32>
      %get3A_175 = arith.constant 6 : index
      %get3A_176 = arith.constant 0 : index
      %get3A_177 = arith.constant 0 : index
      %get3A_178 = vector.load %arg14[%get3A_175, %get3A_176, %get3A_177] : memref<8x768x1024xf32, #tpu.memory_space<vmem>>, vector<1x768x1024xf32>
      %get3A_179 = vector.shape_cast %get3A_178 : vector<1x768x1024xf32> to vector<768x1024xf32>
      %dot_general3A_180 = arith.constant dense<0.000000e+00> : vector<512x768xf32>
      %dot_general3A_181 = tpu.matmul %mul3A_78, %get3A_179, %dot_general3A_180 {dimension_numbers = #tpu.dot_dimension_numbers<[1], [1], [0], [0], [0, 0, 1, 0], [], []>, transpose_lhs_hint = false} : vector<512x1024xf32>, vector<768x1024xf32>, vector<512x768xf32> -> vector<512x768xf32>
      %get3A_182 = arith.constant 6 : index
      %get3A_183 = arith.constant 0 : index
      %get3A_184 = vector.load %arg6[%get3A_182, %get3A_183] : memref<8x768xf32, #tpu.memory_space<vmem>>, vector<1x768xf32>
      %add3A_185 = vector.broadcast %get3A_184 : vector<1x768xf32> to vector<512x768xf32>
      %add3A_186 = arith.addf %dot_general3A_181, %add3A_185 : vector<512x768xf32>
      %mul3A_187 = vector.broadcast %slice3A_174 : vector<512x1xf32> to vector<512x768xf32>
      %mul3A_188 = arith.mulf %mul3A_187, %add3A_186 : vector<512x768xf32>
      %add3A_189 = arith.addf %add3A_173, %mul3A_188 : vector<512x768xf32>
      %slice3A_190 = vector.extract_strided_slice %transpose3A {offsets = [0, 7], sizes = [512, 1], strides = [1, 1]} : vector<512x8xf32> to vector<512x1xf32>
      %get3A_191 = arith.constant 7 : index
      %get3A_192 = arith.constant 0 : index
      %get3A_193 = arith.constant 0 : index
      %get3A_194 = vector.load %arg14[%get3A_191, %get3A_192, %get3A_193] : memref<8x768x1024xf32, #tpu.memory_space<vmem>>, vector<1x768x1024xf32>
      %get3A_195 = vector.shape_cast %get3A_194 : vector<1x768x1024xf32> to vector<768x1024xf32>
      %dot_general3A_196 = arith.constant dense<0.000000e+00> : vector<512x768xf32>
      %dot_general3A_197 = tpu.matmul %mul3A_78, %get3A_195, %dot_general3A_196 {dimension_numbers = #tpu.dot_dimension_numbers<[1], [1], [0], [0], [0, 0, 1, 0], [], []>, transpose_lhs_hint = false} : vector<512x1024xf32>, vector<768x1024xf32>, vector<512x768xf32> -> vector<512x768xf32>
      %get3A_198 = arith.constant 7 : index
      %get3A_199 = arith.constant 0 : index
      %get3A_200 = vector.load %arg6[%get3A_198, %get3A_199] : memref<8x768xf32, #tpu.memory_space<vmem>>, vector<1x768xf32>
      %add3A_201 = vector.broadcast %get3A_200 : vector<1x768xf32> to vector<512x768xf32>
      %add3A_202 = arith.addf %dot_general3A_197, %add3A_201 : vector<512x768xf32>
      %mul3A_203 = vector.broadcast %slice3A_190 : vector<512x1xf32> to vector<512x768xf32>
      %mul3A_204 = arith.mulf %mul3A_203, %add3A_202 : vector<512x768xf32>
      %add3A_205 = arith.addf %add3A_189, %mul3A_204 : vector<512x768xf32>
      %swap3A = arith.constant 0 : index
      %swap3A_206 = arith.constant 0 : index
      %swap3A_207 = vector.load %arg11[%swap3A, %swap3A_206] : memref<512x768xf32, #tpu.memory_space<vmem>>, vector<512x768xf32>
      tpu.vector_store %arg11[%swap3A, %swap3A_206], %add3A_205 {strides = array<i32>} : memref<512x768xf32, #tpu.memory_space<vmem>>, vector<512x768xf32>,
    } else {
    }
    return
  }
  func.func @transform_0(%arg0: i32) -> (i32, i32) {
    %c0_i32 = arith.constant 0 : i32
    %c0_i32_0 = arith.constant 0 : i32
    return %arg0, %c0_i32 : i32, i32
  }
  func.func @transform_1(%arg0: i32) -> (i32, i32) {
    %c0_i32 = arith.constant 0 : i32
    %c0_i32_0 = arith.constant 0 : i32
    return %c0_i32, %arg0 : i32, i32
  }
  func.func @transform_2(%arg0: i32) -> (i32, i32) {
    %c0_i32 = arith.constant 0 : i32
    %c0_i32_0 = arith.constant 0 : i32
    %c0_i32_1 = arith.constant 0 : i32
    return %c0_i32, %c0_i32_0 : i32, i32
  }
  func.func @transform_3(%arg0: i32) -> (i32, i32) {
    %c0_i32 = arith.constant 0 : i32
    %c0_i32_0 = arith.constant 0 : i32
    %c0_i32_1 = arith.constant 0 : i32
    return %c0_i32, %c0_i32_0 : i32, i32
  }
  func.func @transform_4(%arg0: i32) -> (i32, i32) {
    %c0_i32 = arith.constant 0 : i32
    %c0_i32_0 = arith.constant 0 : i32
    %c0_i32_1 = arith.constant 0 : i32
    return %c0_i32, %c0_i32_0 : i32, i32
  }
  func.func @transform_5(%arg0: i32) -> (i32, i32) {
    %c0_i32 = arith.constant 0 : i32
    %c0_i32_0 = arith.constant 0 : i32
    %c0_i32_1 = arith.constant 0 : i32
    return %c0_i32, %c0_i32_0 : i32, i32
  }
  func.func @transform_6(%arg0: i32) -> (i32, i32) {
    %c0_i32 = arith.constant 0 : i32
    %c0_i32_0 = arith.constant 0 : i32
    %c0_i32_1 = arith.constant 0 : i32
    return %c0_i32, %c0_i32_0 : i32, i32
  }
  func.func @transform_10(%arg0: i32) -> (i32, i32) {
    %c0_i32 = arith.constant 0 : i32
    %c0_i32_0 = arith.constant 0 : i32
    return %arg0, %c0_i32 : i32, i32
  }
}

</mosaic_0001>

<sc_bundles>
// kernel: kernel.5.cloned.1.call-start
scs
__scs_entry_jumppad:
0x0: {  	(pc) =	sbr.rel $0x88, $3  }
0x1: {  	(tag) =	ssettag $0x0;
	lr =	simm.s32 $0x1  }
0x2: {  	[smem:$0x3F94] =	sst lr;
	_ =	strace $0xD0000000  }
0x3: {  	_ = 	snop  }
0x4: {  	_ = 	snop  }
0x5: {  	_ = 	snop  }
0x6: {  	_ = 	snop  }
0x7: {  	_ = 	snop  }
__scs_overlays_trampoline_lowered:
0x8: {  	[smem:$0x3FA3] =	sst s0  }
0x9: {  	[smem:$0x3FA4] =	sst s1  }
0xa: {  	[smem:$0x3FA5] =	sst s2  }
0xb: {  	[smem:$0x3FA6] =	sst s3  }
0xc: {  	[smem:$0x3FA7] =	sst s4  }
0xd: {  	[smem:$0x3FA8] =	sst s5  }
0xe: {  	[smem:$0x3FA9] =	sst s6  }
0xf: {  	[smem:$0x3FAA] =	sst s7  }
0x10: {  	[smem:$0x3FAB] =	sst s8  }
0x11: {  	[smem:$0x3FAC] =	sst s9;
	s0 =	simm.s32 @!p0 $0x0  }
0x12: {  	s1 =	sld [smem:$0x3F92];
	s0 =	simm.s32 @p0 $0x1  }
0x13: {  	[smem:$0x3FAD] =	sst s0;
	s0 =	simm.s32 @!p1 $0x0  }
0x14: {  	s2 =	sld [smem:$0x3F91];
	s0 =	simm.s32 @p1 $0x1  }
0x15: {  	[smem:$0x3FAE] =	sst s0;
	s0 =	simm.s32 @!p2 $0x0  }
0x16: {  	s3 =	sld [smem:$0x3FDB];
	s0 =	simm.s32 @p2 $0x1  }
0x17: {  	s4 =	simm.s32 $0x1BF5;
	[smem:$0x3FB0] =	sst s0  }
0x18: {  	s0 =	sld [smem:$0x3F93];
	_ =	swait.ge [sflag:s4], $0x0  }
0x19: {  	s7 =	sld [smem:$0x3F94]  }
0x1a: {  	s8 =	sadd.s32 $0xFFFFE003, lr  }
0x1b: {  	s9 =	sadd.s32 $0xFFFFFEF7, lr;
	s5 =	simm.s32 $0xFFFFFFFF;
	p2 =	slt.u32 s8, $0xFFFFF086  }
0x1c: {  	p1 =	slt.u32 s9, $0xF7A;
	s5 =	simm.s32 @!p2 $0x0  }
0x1d: {  	s5 =	simm.s32 @p1 $0x1;
	p0 =	seq.s32 s7, s2  }
0x1e: {  	s7 =	smul.u32 @!p0 $0xF7A, s2;
	p2 =	seq.s32 @!p0 s5, $0x0  }
0x1f: {  	s9 =	smul.u32 $0xF7A, s1;
	s8 =	simm.s32 @!p0 $0x1BF5;
	p2 =	por !p2, p0  }
0x20: {  	[sflag:s8] =	ssyncset.s32 @!p0 $0xFFFFF086;
	s6 =	sadd.s32 @!p0 s3, s7;
	s7 =	simm.s32 @!p0 $0x108  }
0x21: {  	s3 =	sadd.s32 s3, s9;
	s6 =	sadd.s32 @!p0 $0x88, s6;
	s7 =	simm.s32 @p2 $0x1082  }
0x22: {  	[simem:s7], [sflag:s8] =	dma.local @!p0 [hbm:s6], $0xF7A  }
0x23: {  	s9 =	sor.u32 $0xD0000000, s2;
	s6 =	simm.s32 $0x108;
	_ =	swait.ge @!p0 [sflag:s8], $0x0  }
0x24: {  	s3 =	sadd.s32 $0x88, s3;
	s6 =	simm.s32 @!p1 $0x1082;
	[sflag:s4] =	ssyncset.s32 $0xFFFFF086  }
0x25: {  	[simem:s6], [sflag:s4] =	dma.local [hbm:s3], $0xF7A  }
0x26: {  	[smem:$0x3F94] =	sst s1;
	(tag) =	ssettag s2;
	_ =	strace s9  }
0x27: {  	s1 =	sld [smem:$0x3FA4]  }
0x28: {  	s2 =	sld [smem:$0x3FA5]  }
0x29: {  	s4 =	sld [smem:$0x3FA7]  }
0x2a: {  	p0 =	seq.s32 s5, $0x0;
	s5 =	sld [smem:$0x3FA8]  }
0x2b: {  	s6 =	sld [smem:$0x3FA9]  }
0x2c: {  	s7 =	sld [smem:$0x3FAA]  }
0x2d: {  	s3 =	simm.s32 $0x108;
	s8 =	sld [smem:$0x3FAB]  }
0x2e: {  	s3 =	simm.s32 @!p0 $0x1082;
	s9 =	sld [smem:$0x3FAC]  }
0x2f: {  	lr =	sadd.s32 s0, s3;
	s0 =	sld [smem:$0x3FA3]  }
0x30: {  	s3 =	sld [smem:$0x3FA6]  }
0x31: {  	[smem:$0x3FAF] =	sst s10  }
0x32: {  	s10 =	sld [smem:$0x3FAD];
	_ =	sdelay $0x3  }
0x33: {  	p0 =	seq.s32 s10, $0x1;
	s10 =	sld [smem:$0x3FAF];
	_ =	sdelay $0x3  }
0x34: {  	[smem:$0x3FAF] =	sst s10  }
0x35: {  	s10 =	sld [smem:$0x3FAE];
	_ =	sdelay $0x3  }
0x36: {  	p1 =	seq.s32 s10, $0x1;
	s10 =	sld [smem:$0x3FAF];
	_ =	sdelay $0x3  }
0x37: {  	[smem:$0x3FAF] =	sst s10  }
0x38: {  	s10 =	sld [smem:$0x3FB0]  }
0x39: {  	_ = 	snop;
	(pc) =	sbr.ind lr, $3  }
0x3a: {  	_ = 	snop  }
0x3b: {  	_ = 	snop  }
0x3c: {  	p2 =	seq.s32 s10, $0x1;
	s10 =	sld [smem:$0x3FAF]  }
0x3d: {  	_ =	shalt  }
0x3e: {  	_ =	shalt  }
0x3f: {  	_ =	shalt  }
0x40: {  	_ =	shalt  }
0x41: {  	_ =	shalt  }
0x42: {  	_ =	shalt  }
0x43: {  	_ =	shalt  }
0x44: {  	_ =	shalt  }
0x45: {  	_ =	shalt  }
0x46: {  	_ =	shalt  }
0x47: {  	_ =	shalt  }
0x48: {  	_ =	shalt  }
0x49: {  	_ =	shalt  }
0x4a: {  	_ =	shalt  }
0x4b: {  	_ =	shalt  }
0x4c: {  	_ =	shalt  }
0x4d: {  	_ =	shalt  }
0x4e: {  	_ =	shalt  }
0x4f: {  	_ =	shalt  }
0x50: {  	_ =	shalt  }
0x51: {  	_ =	shalt  }
0x52: {  	_ =	shalt  }
0x53: {  	_ =	shalt  }
0x54: {  	_ =	shalt  }
0x55: {  	_ =	shalt  }
0x56: {  	_ =	shalt  }
0x57: {  	_ =	shalt  }
0x58: {  	_ =	shalt  }
0x59: {  	_ =	shalt  }
0x5a: {  	_ =	shalt  }
0x5b: {  	_ =	shalt  }
0x5c: {  	_ =	shalt  }
0x5d: {  	_ =	shalt  }
0x5e: {  	_ =	shalt  }
0x5f: {  	_ =	shalt  }
0x60: {  	_ =	shalt  }
0x61: {  	_ =	shalt  }
0x62: {  	_ =	shalt  }
0x63: {  	_ =	shalt  }
0x64: {  	_ =	shalt  }
0x65: {  	_ =	shalt  }
0x66: {  	_ =	shalt  }
0x67: {  	_ =	shalt  }
0x68: {  	_ =	shalt  }
0x69: {  	_ =	shalt  }
0x6a: {  	_ =	shalt  }
0x6b: {  	_ =	shalt  }
0x6c: {  	_ =	shalt  }
0x6d: {  	_ =	shalt  }
0x6e: {  	_ =	shalt  }
0x6f: {  	_ =	shalt  }
0x70: {  	_ =	shalt  }
0x71: {  	_ =	shalt  }
0x72: {  	_ =	shalt  }
0x73: {  	_ =	shalt  }
0x74: {  	_ =	shalt  }
0x75: {  	_ =	shalt  }
0x76: {  	_ =	shalt  }
0x77: {  	_ =	shalt  }
0x78: {  	_ =	shalt  }
0x79: {  	_ =	shalt  }
0x7a: {  	_ =	shalt  }
0x7b: {  	_ =	shalt  }
0x7c: {  	_ =	shalt  }
0x7d: {  	_ =	shalt  }
0x7e: {  	_ =	shalt  }
0x7f: {  	_ =	shalt  }
0x80: {  	_ =	shalt  }
0x81: {  	_ =	shalt  }
0x82: {  	_ =	shalt  }
0x83: {  	_ =	shalt  }
0x84: {  	_ =	shalt  }
0x85: {  	_ =	shalt  }
0x86: {  	_ =	shalt  }
0x87: {  	_ =	shalt  }
.Lfunc_end0:
.L_simem_size_0:
called_computation_lowered:
.L_overlay_start_0:
0x88: {  	s2 =	sld [smem:$0x3FD9]  }
0x89: {  	s3 =	sld [smem:$0x3FFE];
	_ =	sdelay $0x1  }
0x8a: {  	s1 =	srdreg.scid  }
0x8b: {  	s0 =	sand.u32 $0x1, s1  }
0x8c: {  	s17 =	sshll.u32 s0, $0xA;
	s2 =	sadd.s32 s3, s2  }
0x8d: {  	s2 =	sadd.s32 s2, s17  }
0x8e: {  	[smem:$0x3FBB] =	sst s2  }
0x8f: {  	_ = 	snop  }
0x90: {  	s2 =	sld [smem:$0x3FD0];
	(tm) =	ssettm $0x1  }
0x91: {  	s18 =	sld [smem:$0x3FFB];
	_ =	sdelay $0x3  }
0x92: {  	_ =	strace s18  }
0x93: {  	s3 =	sld [smem:$0x3FFC];
	_ =	sdelay $0x3  }
0x94: {  	_ =	strace s3  }
0x95: {  	s3 =	sld [smem:$0x3FFD];
	_ =	sdelay $0x3  }
0x96: {  	_ =	strace s3  }
0x97: {  	_ =	strace $0x8FFFFFFF  }
0x98: {  	s19 =	sld [smem:$0x3FDB];
	_ =	sdelay $0x1  }
0x99: {  	s4 =	simm.s32 $_scs_section_size  }
0x9a: {  	s5 =	simm.s32 $_size__tile_overlayer_lowered;
	s6 =	simm.s32 $_tile_overlayer_lowered  }
0x9b: {  	s22 =	simm.s32 $0x1BFF;
	s21 =	sshll.u32 s6, $0x1;
	s3 =	sadd.s32 s4, s19  }
0x9c: {  	s7 =	simm.s32 $0x0;
	s20 =	sshll.u32 s5, $0x1;
	s5 =	sadd.s32 s21, s3  }
0x9d: {  	[timem:s7], [sflag:s22] =	dma.local [hbm:s5], s20  }
0x9e: {  	_ =	swait.ge [sflag:s22], s20  }
0x9f: {  	s4 =	ssub.s32 $0x0, s20;
	[sflag:s22] =	ssyncset.done $0x0  }
0xa0: {  	[sflag:s22] =	ssyncadd.s32 s4;
	_ =	sdelay $0x1  }
0xa1: {  	s23 =	simm.s32 $0x1B8B  }
0xa2: {  	_ =	swait.ge [sflag:s23], $0x1  }
0xa3: {  	[sflag:s23] =	ssyncset.done $0x0  }
0xa4: {  	s25 =	simm.s32 $0x1B8E;
	s24 =	sld [smem:$0x3FFE];
	[sflag:s23] =	ssyncadd.s32 $0xFFFFFFFF  }
0xa5: {  	s26 =	simm.s32 $execute0_lowered;
	[smem:$0x3FD2] =	sst s25  }
0xa6: {  	s5 =	sshll.u32 s26, $0x1;
	_ =	strace $0x80000046;
	[dreg:$0x1] =	wrdreg $0xFFFFFFFF  }
0xa7: {  	s28 =	simm.s32 $_size_execute0_lowered;
	s3 =	sadd.s32 s3, s5;
	[dreg:$0x0] =	wrdreg $0x0  }
0xa8: {  	s5 =	sshll.u32 s28, $0x1;
	[dreg:$0x2] =	wrdreg s3  }
0xa9: {  	[dreg:$0x3] =	wrdreg s5  }
0xaa: {  	[dreg:$0x4] =	wrdreg $0xC0  }
0xab: {  	_ =	task [dreg:s7], $0x5FFFF  }
0xac: {  	[dreg:$0x1] =	wrdreg $0xFFFFFFFF  }
0xad: {  	[dreg:$0x0] =	wrdreg $0x60  }
0xae: {  	[dreg:$0x2] =	wrdreg s2  }
0xaf: {  	[dreg:$0x3] =	wrdreg s24  }
0xb0: {  	[dreg:$0x4] =	wrdreg $0x9  }
0xb1: {  	_ =	task.clear_ibuf [dreg:s7], $0x5FFFF;
	_ =	strace $0x90000046  }
0xb2: {  	s29 =	simm.s32 $0x9;
	_ =	strace $0x80000048  }
0xb3: {  	_ =	swait.ge [sflag:s29], $0x1  }
0xb4: {  	[sflag:s29] =	ssyncadd.s32 $0xFFFFFFFF  }
0xb5: {  	_ =	strace $0x90000048  }
0xb6: {  	_ =	sfence  }
0xb7: {  	s30 =	sld [smem:$0x0];
	_ =	sdelay $0x2  }
0xb8: {  	s31 =	sshll.u32 s1, $0xD;
	s1 =	sshrl.u32 s1, $0x2  }
0xb9: {  	s3 =	sand.u32 $0x4000, s31;
	s1 =	sadd.s32 s1, s30  }
0xba: {  	s0 =	sor.u32 s3, s0;
	s1 =	sshll.u32 s1, $0x11  }
0xbb: {  	s0 =	sor.u32 s1, s0  }
0xbc: {  	s0 =	sadd.s32 $0x8F2B, s0  }
0xbd: {  	[sflag:s0] =	ssyncadd.remote.s32 $0x1  }
0xbe: {  	_ =	sfence.sel $0xFFFF  }
0xbf: {  	[dreg:$0x0] =	wrdreg $0xFFFFFFFF;
	(pc) =	sbr.abs _section_cstart, $3  }
0xc0: {  	[dreg:$0x1] =	wrdreg $0xFFFFFFFF  }
0xc1: {  	_ =	task.clear_ibuf [dreg:s7], $0x2FFFF;
	_ =	strace $0x9FFFFFFF  }
0xc2: {  	(tm) =	ssettm $0x7FFFFFFF  }
0xc3: {  	_ =	shalt  }
tec
execute0_lowered:
.L_overlay_start_1:
0x0: {  	(tag) =	ssettag $0x1  }
0x1: {  	s1 =	stileid.u32  }
0x2: {  	p0 =	sgt.u32 s1, $0x7  }
.Ltmp0:
0x3: {  	_ = 	snop;
	(pc) =	sbr.rel @p0 .LBB2_5-.Ltmp0, $4  }
0x4: {  	s4 =	rddreg [dreg:$0x0]  }
0x5: {  	s3 =	rddreg [dreg:$0x1];
	s2 =	simm.s32 $0x0  }
0x6: {  	[smem:$0x7FF] =	sst s2  }
0x7: {  	s0 =	rddreg [dreg:$0x2];
	_ =	strace $0x80000047  }
0x8: {  	s5 =	srdreg.scid  }
0x9: {  	s5 =	sand.u32 $0x1, s5  }
0xa: {  	s6 =	sshll.u32 s1, $0x8;
	s8 =	simm.s32 $0x1;
	s7 =	sshll.u32 s5, $0x7  }
0xb: {  	s9 =	simm.s32 $0x800;
	s5 =	ssub.s32 $0x2, s5;
	s6 =	sor.u32 s7, s6  }
0xc: {  	s10 =	simm.s32 $0x0;
	s31 =	sshrl.u32 s5, $0x1;
	s3 =	sadd.s32 s6, s3  }
0xd: {  	s7 =	ssub.s32 s5, s31;
	s4 =	sadd.s32 s4, s6;
	s3 =	sadd.s32 $0x1200, s3  }
0xe: {  	v0 =	vimm.f32 $0.0e+00;
	s5 =	sadd.s32 $0x800, s4;
	s6 =	smax.u32 s7, $0x1;
	s7 =	simm.s32 $0x400  }
.LBB2_2:
0xf: {  	[tilespmem:s2], [sflag:$0x1] =	stream.linear.gather [hbm4b:s4+s2], $0x400, $0x38;
	[tilespmem:$0xC00] =	vst v63  }
0x10: {  	_ = 	snop  }
0x11: {  	[tilespmem:s7], [sflag:$0x1] =	stream.linear.gather [hbm4b:s5+s2], $0x100, $0x38;
	[tilespmem:$0xC00] =	vst v63  }
0x12: {  	_ =	swait.ge [sflag:s8], $0x500  }
0x13: {  	[sflag:s8] =	ssyncset.done $0x0  }
0x14: {  	s12 =	simm.s32 $0xFFFFFF80;
	[sflag:s8] =	ssyncadd.s32 $0xFFFFFB00  }
0x15: {  	v1 =	vld [tilespmem:s12+$0x500]  }
0x16: {  	v2 =	vld [tilespmem:s12+$0x480]  }
0x17: {  	v3 =	vld [tilespmem:s12+$0x380]  }
0x18: {  	v4 =	vld [tilespmem:s12+$0x180]  }
0x19: {  	v5 =	vld [tilespmem:s12+$0x400]  }
0x1a: {  	v6 =	vld [tilespmem:s12+$0x80]  }
0x1b: {  	v7 =	vld [tilespmem:s12+$0x100]  }
0x1c: {  	v8 =	vld [tilespmem:s12+$0x200]  }
0x1d: {  	v9 =	vld [tilespmem:s12+$0x280]  }
0x1e: {  	v10 =	vld [tilespmem:s12+$0x300];
	_ =	sdelay $0x1  }
0x1f: {  	vm0 =	vgt.f32 v7, v6  }
0x20: {  	v3 =	vsel vm0, v3, v4;
	v4 =	vsel vm0, v5, v8  }
0x21: {  	v2 =	vsel vm0, v2, v9;
	v5 =	vmax.f32 v3, v4  }
0x22: {  	v1 =	vsel vm0, v1, v10;
	v5 =	vmax.f32 v5, v2  }
0x23: {  	v5 =	vmax.f32 v5, v1  }
0x24: {  	v3 =	vsub.f32 v3, v5  }
0x25: {  	v4 =	vsub.f32 v4, v5  }
0x26: {  	v3 =	vmul.f32 $1.442695020e+00, v3  }
0x27: {  	v2 =	vsub.f32 v2, v5;
	v4 =	vmul.f32 $1.442695020e+00, v4  }
0x28: {  	(erf) = vpow2.f32 v3  }
0x29: {  	v1 =	vsub.f32 v1, v5;
	v2 =	vmul.f32 $1.442695020e+00, v2;
	(erf) = vpow2.f32 v4;
	_ =	sdelay $0x1  }
0x2a: {  	s11 =	simm.s32 $0xFFFFFF90;
	v1 =	vmul.f32 $1.442695020e+00, v1;
	(erf) = vpow2.f32 v2  }
0x2b: {  	v12 =	vld [tilespmem:s11+$0x200]  }
0x2c: {  	v13 =	vld [tilespmem:s11+$0x280];
	(erf) = vpow2.f32 v1  }
0x2d: {  	v15 =	vld [tilespmem:s11+$0x300]  }
0x2e: {  	v6 =	vld [tilespmem:s11+$0x400]  }
0x2f: {  	v8 =	vld [tilespmem:s11+$0x80]  }
0x30: {  	v10 =	vld [tilespmem:s11+$0x100];
	v5 =	vpop (erf)  }
0x31: {  	v3 =	vld [tilespmem:s11+$0x380];
	v7 =	vpop (erf)  }
0x32: {  	v4 =	vld [tilespmem:s11+$0x180];
	v9 =	vadd.f32 v7, v5  }
0x33: {  	v2 =	vld [tilespmem:s11+$0x480];
	v11 =	vpop (erf)  }
0x34: {  	v1 =	vld [tilespmem:s11+$0x500];
	v9 =	vadd.f32 v9, v11  }
0x35: {  	v14 =	vpop (erf)  }
0x36: {  	vm2 =	vgt.f32 v10, v8;
	v9 =	vadd.f32 v9, v14  }
0x37: {  	v3 =	vsel vm2, v3, v4;
	v4 =	vsel vm2, v6, v12  }
0x38: {  	v2 =	vsel vm2, v2, v13;
	v6 =	vmax.f32 v3, v4;
	(erf) = vrcp.f32 v9  }
0x39: {  	v1 =	vsel vm2, v1, v15;
	v6 =	vmax.f32 v6, v2  }
0x3a: {  	v6 =	vmax.f32 v6, v1  }
0x3b: {  	v3 =	vsub.f32 v3, v6;
	_ =	sdelay $0x1  }
0x3c: {  	v3 =	vmul.f32 $1.442695020e+00, v3  }
0x3d: {  	v4 =	vsub.f32 v4, v6  }
0x3e: {  	v2 =	vsub.f32 v2, v6  }
0x3f: {  	v4 =	vmul.f32 $1.442695020e+00, v4  }
0x40: {  	vm0 =	vmmov vm0;
	v8 =	vmul.f32 $1.442695020e+00, v2;
	(erf) = vpow2.f32 v3;
	v3 =	vpop (erf)  }
0x41: {  	v6 =	vsub.f32 v1, v6;
	(erf) = vpow2.f32 v4;
	v1 =	vmul.f32 v3, v5  }
0x42: {  	vm1 =	vmmov vm0;
	v2 =	vmul.f32 v3, v7;
	v7 =	vmul.f32 v3, v14  }
0x43: {  	vm0 =	vmmov vm2;
	v4 =	vmul.f32 $1.442695020e+00, v6;
	(erf) = vpow2.f32 v8  }
0x44: {  	v3 =	vmul.f32 v3, v11;
	vm2 =	vge.f32 v1, v7;
	vm3 =	vge.f32 v2, v7  }
0x45: {  	(erf) = vpow2.f32 v4;
	v4 =	vsel vm2, $0x3F800000, v0;
	v5 =	vsel vm3, $0x3F800000, v0  }
0x46: {  	s13 =	simm.s32 $0xFFFFFFA0;
	v4 =	vadd.f32 v5, v4  }
0x47: {  	v16 =	vld [tilespmem:s13+$0x80];
	vm4 =	vgt.f32 v3, v1;
	vm3 =	vge.f32 v3, v7  }
0x48: {  	v18 =	vld [tilespmem:s13+$0x100];
	vm5 =	vge.f32 v1, v2;
	vm6 =	vge.f32 v1, v3;
	v5 =	vsel vm3, $0x3F800000, v0  }
0x49: {  	v20 =	vld [tilespmem:s13+$0x200];
	vm2 =	vgt.f32 v2, v1;
	v17 =	vsel vm4, $0x3F800000, v0;
	v6 =	vadd.f32 v4, v5  }
0x4a: {  	v10 =	vld [tilespmem:s13+$0x480];
	v22 =	vsel vm5, $0x3F800000, v0;
	v15 =	vsel vm6, $0x3F800000, v0;
	vm3 =	vgt.f32 v3, v2;
	v4 =	vpop (erf)  }
0x4b: {  	v12 =	vld [tilespmem:s13+$0x180];
	v14 =	vsel vm2, $0x3F800000, v0;
	v23 =	vsel vm3, $0x3F800000, v0;
	vm3 =	vlt.f32 v6, $2.000000000e+00;
	v5 =	vpop (erf)  }
0x4c: {  	v13 =	vld [tilespmem:s13+$0x400];
	vm2 =	vge.f32 v2, v3;
	v8 =	vnsel vm3, $0x0, v7;
	v21 =	vadd.f32 v5, v4  }
0x4d: {  	v9 =	vld [tilespmem:s13+$0x500];
	v14 =	vadd.f32 v17, v14;
	v19 =	vsel vm2, $0x3F800000, v0;
	v6 =	vpop (erf);
	v24 =	vnsel vm1, $0x0, v8  }
0x4e: {  	s14 =	simm.s32 $0xFFFFFEC0;
	v11 =	vld [tilespmem:s13+$0x380];
	v17 =	vadd.f32 v23, v22;
	vm3 =	vgt.f32 v7, v1;
	[tilespmem:s12+$0xC00] =	vst v24;
	v21 =	vadd.f32 v21, v6  }
.LBB2_3:
0x4f: {  	p0 =	sne.s32 s14, $0xFFFFFFC0;
	v22 =	vld [tilespmem:s13+$0x280];
	v23 =	vpop (erf);
	vm2 =	vgt.f32 v7, v2;
	v15 =	vadd.f32 v19, v15;
	vm4 =	vgt.f32 v7, v3  }
0x50: {  	v7 =	vld [tilespmem:s13+$0x300];
	v19 =	vadd.f32 v21, v23;
	v21 =	vsel vm3, $0x3F800000, v0;
	v24 =	vsel vm2, $0x3F800000, v0  }
0x51: {  	v14 =	vadd.f32 v14, v21;
	v17 =	vadd.f32 v17, v24;
	v21 =	vsel vm4, $0x3F800000, v0  }
0x52: {  	vm2 =	vgt.f32 v18, v16;
	(erf) = vrcp.f32 v19;
	v15 =	vadd.f32 v15, v21  }
0x53: {  	v11 =	vsel vm2, v11, v12;
	v12 =	vsel vm2, v13, v20;
	vm3 =	vlt.f32 v14, $2.000000000e+00  }
0x54: {  	vm4 =	vlt.f32 v17, $2.000000000e+00;
	v10 =	vsel vm2, v10, v22;
	v13 =	vmax.f32 v11, v12  }
0x55: {  	vm5 =	vlt.f32 v15, $2.000000000e+00;
	v7 =	vsel vm2, v9, v7;
	v9 =	vmax.f32 v13, v10  }
0x56: {  	v1 =	vnsel vm3, $0x0, v1;
	v2 =	vnsel vm4, $0x0, v2;
	v9 =	vmax.f32 v9, v7  }
0x57: {  	v13 =	vsel vm1, $0x0, v1;
	v3 =	vnsel vm5, $0x0, v3;
	v11 =	vsub.f32 v11, v9  }
0x58: {  	v1 =	vnsel vm1, $0x0, v1;
	v12 =	vsub.f32 v12, v9;
	[tilespmem:s12+$0x880] =	vst v13;
	v13 =	vsel vm1, $0x0, v2  }
0x59: {  	v10 =	vsub.f32 v10, v9;
	v14 =	vmul.f32 $1.442695020e+00, v11;
	[tilespmem:s12+$0xA80] =	vst v1;
	v1 =	vnsel vm1, $0x0, v2  }
0x5a: {  	v2 =	vmul.f32 $1.442695020e+00, v12;
	v12 =	vsel vm1, $0x0, v3;
	v3 =	vnsel vm1, $0x0, v3;
	[tilespmem:s12+$0x900] =	vst v13  }
0x5b: {  	v8 =	vsel vm1, $0x0, v8;
	v10 =	vmul.f32 $1.442695020e+00, v10;
	(erf) = vpow2.f32 v14;
	v11 =	vpop (erf);
	[tilespmem:s12+$0xB00] =	vst v1  }
0x5c: {  	v9 =	vsub.f32 v7, v9;
	(erf) = vpow2.f32 v2;
	v1 =	vmul.f32 v11, v4;
	[tilespmem:s12+$0x980] =	vst v12  }
0x5d: {  	vm1 =	vmmov vm0;
	v2 =	vmul.f32 v11, v5;
	v7 =	vmul.f32 v11, v23;
	[tilespmem:s12+$0xB80] =	vst v3  }
0x5e: {  	vm0 =	vmmov vm2;
	v4 =	vmul.f32 $1.442695020e+00, v9;
	(erf) = vpow2.f32 v10;
	[tilespmem:s12+$0xA00] =	vst v8;
	s12 =	smov.u32 s11;
	s11 =	smov.u32 s13  }
0x5f: {  	v3 =	vmul.f32 v11, v6;
	vm2 =	vge.f32 v1, v7;
	vm3 =	vge.f32 v2, v7  }
0x60: {  	s13 =	sshra.s32 s14, $0x2;
	v5 =	vsel vm3, $0x3F800000, v0;
	(erf) = vpow2.f32 v4;
	v4 =	vsel vm2, $0x3F800000, v0  }
0x61: {  	vm3 =	vge.f32 v3, v7;
	vm2 =	vgt.f32 v2, v1;
	v9 =	vld [tilespmem:s13+$0x500];
	v8 =	vadd.f32 v5, v4  }
0x62: {  	vm5 =	vge.f32 v1, v2;
	vm4 =	vgt.f32 v3, v1;
	v5 =	vsel vm3, $0x3F800000, v0;
	v10 =	vld [tilespmem:s13+$0x480]  }
0x63: {  	vm6 =	vge.f32 v1, v3;
	vm3 =	vgt.f32 v3, v2;
	v11 =	vld [tilespmem:s13+$0x380];
	v6 =	vadd.f32 v8, v5  }
.Ltmp1:
0x64: {  	v17 =	vsel vm4, $0x3F800000, v0;
	v14 =	vsel vm2, $0x3F800000, v0;
	vm2 =	vge.f32 v2, v3;
	v12 =	vld [tilespmem:s13+$0x180];
	v4 =	vpop (erf);
	(pc) =	sbr.rel @p0 .LBB2_3-.Ltmp1, $4  }
0x65: {  	v22 =	vsel vm5, $0x3F800000, v0;
	v23 =	vsel vm3, $0x3F800000, v0;
	v13 =	vld [tilespmem:s13+$0x400];
	v5 =	vpop (erf);
	vm3 =	vlt.f32 v6, $2.000000000e+00  }
0x66: {  	v15 =	vsel vm6, $0x3F800000, v0;
	v16 =	vld [tilespmem:s13+$0x80];
	v21 =	vadd.f32 v5, v4;
	v8 =	vnsel vm3, $0x0, v7  }
0x67: {  	v14 =	vadd.f32 v17, v14;
	v19 =	vsel vm2, $0x3F800000, v0;
	v18 =	vld [tilespmem:s13+$0x100];
	v6 =	vpop (erf);
	v24 =	vnsel vm1, $0x0, v8  }
0x68: {  	s14 =	sadd.s32 $0x40, s14;
	v17 =	vadd.f32 v23, v22;
	vm3 =	vgt.f32 v7, v1;
	v20 =	vld [tilespmem:s13+$0x200];
	v21 =	vadd.f32 v21, v6;
	[tilespmem:s12+$0xC00] =	vst v24  }
0x69: {  	v22 =	vld [tilespmem:s13+$0x280]  }
0x6a: {  	v23 =	vld [tilespmem:s13+$0x300];
	_ =	sdelay $0x1  }
0x6b: {  	vm2 =	vgt.f32 v18, v16  }
0x6c: {  	v11 =	vsel vm2, v11, v12;
	v53 =	vsel vm2, v13, v20  }
0x6d: {  	v10 =	vsel vm2, v10, v22;
	v13 =	vmax.f32 v11, v53  }
0x6e: {  	v9 =	vsel vm2, v9, v23;
	v13 =	vmax.f32 v13, v10  }
0x6f: {  	v13 =	vmax.f32 v13, v9  }
0x70: {  	v54 =	vpop (erf);
	v11 =	vsub.f32 v11, v13  }
0x71: {  	v55 =	vadd.f32 v21, v54;
	v12 =	vsub.f32 v53, v13  }
0x72: {  	vm4 =	vgt.f32 v7, v2;
	v15 =	vadd.f32 v19, v15;
	v11 =	vmul.f32 $1.442695020e+00, v11  }
0x73: {  	(erf) = vrcp.f32 v55;
	v10 =	vsub.f32 v10, v13;
	v12 =	vmul.f32 $1.442695020e+00, v12  }
0x74: {  	v56 =	vsel vm3, $0x3F800000, v0;
	vm7 =	vgt.f32 v7, v3;
	(erf) = vpow2.f32 v11  }
0x75: {  	v9 =	vsub.f32 v9, v13;
	v10 =	vmul.f32 $1.442695020e+00, v10;
	(erf) = vpow2.f32 v12  }
0x76: {  	v57 =	vsel vm4, $0x3F800000, v0;
	v58 =	vadd.f32 v14, v56;
	v59 =	vsel vm7, $0x3F800000, v0  }
0x77: {  	v7 =	vadd.f32 v17, v57;
	v9 =	vmul.f32 $1.442695020e+00, v9;
	(erf) = vpow2.f32 v10  }
0x78: {  	v8 =	vsel vm1, $0x0, v8;
	v60 =	vadd.f32 v15, v59;
	vm8 =	vlt.f32 v58, $2.000000000e+00  }
0x79: {  	vm9 =	vlt.f32 v7, $2.000000000e+00;
	v1 =	vnsel vm8, $0x0, v1;
	(erf) = vpow2.f32 v9  }
0x7a: {  	vm5 =	vlt.f32 v60, $2.000000000e+00;
	v2 =	vnsel vm9, $0x0, v2;
	v61 =	vsel vm1, $0x0, v1  }
0x7b: {  	v3 =	vnsel vm5, $0x0, v3;
	v1 =	vnsel vm1, $0x0, v1;
	v63 =	vsel vm1, $0x0, v2  }
0x7c: {  	v2 =	vnsel vm1, $0x0, v2;
	v24 =	vsel vm1, $0x0, v3;
	v3 =	vnsel vm1, $0x0, v3;
	v62 =	vpop (erf)  }
0x7d: {  	vm1 =	vmmov vm0;
	v4 =	vmul.f32 v62, v4;
	v26 =	vmul.f32 v62, v54;
	v25 =	vpop (erf)  }
0x7e: {  	vm0 =	vmmov vm2;
	v5 =	vmul.f32 v62, v5;
	v6 =	vmul.f32 v62, v6;
	v27 =	vpop (erf)  }
0x7f: {  	vm0 =	vmmov vm0;
	vm10 =	vge.f32 v4, v26;
	v28 =	vadd.f32 v27, v25  }
0x80: {  	vm11 =	vge.f32 v5, v26;
	vm12 =	vgt.f32 v5, v4;
	vm13 =	vge.f32 v6, v26;
	v29 =	vpop (erf)  }
0x81: {  	vm14 =	vgt.f32 v6, v4;
	vm15 =	vge.f32 v4, v5;
	v15 =	vadd.f32 v28, v29  }
0x82: {  	vm9 =	vgt.f32 v6, v5;
	vm6 =	vge.f32 v4, v6;
	v30 =	vsel vm10, $0x3F800000, v0;
	v32 =	vpop (erf)  }
0x83: {  	v31 =	vsel vm11, $0x3F800000, v0;
	v33 =	vsel vm13, $0x3F800000, v0;
	v15 =	vadd.f32 v15, v32  }
0x84: {  	v34 =	vsel vm12, $0x3F800000, v0;
	v35 =	vsel vm14, $0x3F800000, v0;
	vm10 =	vge.f32 v5, v6  }
0x85: {  	v36 =	vsel vm15, $0x3F800000, v0;
	v37 =	vsel vm9, $0x3F800000, v0;
	(erf) = vrcp.f32 v15  }
0x86: {  	v38 =	vsel vm6, $0x3F800000, v0;
	vm12 =	vgt.f32 v26, v5;
	v16 =	vadd.f32 v31, v30  }
0x87: {  	vm13 =	vgt.f32 v26, v6;
	v39 =	vsel vm10, $0x3F800000, v0;
	v19 =	vadd.f32 v37, v36  }
0x88: {  	v41 =	vsel vm12, $0x3F800000, v0;
	v18 =	vadd.f32 v39, v38;
	v16 =	vadd.f32 v16, v33  }
0x89: {  	vm11 =	vgt.f32 v26, v4;
	v43 =	vsel vm13, $0x3F800000, v0;
	v42 =	vadd.f32 v19, v41  }
0x8a: {  	v40 =	vsel vm11, $0x3F800000, v0;
	v18 =	vadd.f32 v18, v43;
	vm14 =	vlt.f32 v16, $2.000000000e+00  }
0x8b: {  	vm6 =	vlt.f32 v42, $2.000000000e+00;
	v13 =	vnsel vm14, $0x0, v26;
	v15 =	vadd.f32 v35, v34  }
0x8c: {  	vm7 =	vlt.f32 v18, $2.000000000e+00;
	v5 =	vnsel vm6, $0x0, v5;
	v44 =	vnsel vm1, $0x0, v13  }
0x8d: {  	v6 =	vnsel vm7, $0x0, v6;
	v47 =	vsel vm1, $0x0, v5;
	v15 =	vadd.f32 v15, v40  }
0x8e: {  	[tilespmem:s12+$0xA80] =	vst v1;
	v1 =	vnsel vm1, $0x0, v5;
	v49 =	vsel vm1, $0x0, v13;
	v48 =	vsel vm1, $0x0, v6;
	v46 =	vpop (erf)  }
0x8f: {  	v6 =	vnsel vm1, $0x0, v6;
	vm15 =	vlt.f32 v15, $2.000000000e+00;
	v12 =	vmul.f32 v46, v25  }
0x90: {  	[tilespmem:s12+$0xA00] =	vst v8;
	v4 =	vnsel vm15, $0x0, v4;
	v14 =	vmul.f32 v46, v27;
	v17 =	vmul.f32 v46, v32  }
0x91: {  	[tilespmem:s12+$0xB00] =	vst v2;
	v45 =	vsel vm1, $0x0, v4;
	v4 =	vnsel vm1, $0x0, v4;
	v2 =	vmul.f32 v46, v29  }
0x92: {  	[tilespmem:s12+$0x880] =	vst v61;
	vm8 =	vge.f32 v12, v17;
	vm9 =	vge.f32 v14, v17;
	vm10 =	vgt.f32 v14, v12  }
0x93: {  	[tilespmem:s12+$0x900] =	vst v63;
	vm11 =	vge.f32 v2, v17;
	v50 =	vsel vm8, $0x3F800000, v0;
	v51 =	vsel vm9, $0x3F800000, v0  }
0x94: {  	[tilespmem:s12+$0x980] =	vst v24;
	vm12 =	vgt.f32 v2, v12;
	vm13 =	vge.f32 v12, v14;
	v9 =	vadd.f32 v51, v50  }
0x95: {  	[tilespmem:s12+$0xB80] =	vst v3;
	vm14 =	vgt.f32 v2, v14;
	vm15 =	vge.f32 v12, v2;
	v3 =	vsel vm11, $0x3F800000, v0  }
0x96: {  	[tilespmem:s11+$0xC00] =	vst v44;
	v52 =	vsel vm10, $0x3F800000, v0;
	v53 =	vsel vm12, $0x3F800000, v0;
	v3 =	vadd.f32 v9, v3  }
0x97: {  	[tilespmem:s11+$0x900] =	vst v47;
	vm8 =	vge.f32 v14, v2;
	v54 =	vsel vm13, $0x3F800000, v0;
	v55 =	vsel vm14, $0x3F800000, v0  }
0x98: {  	[tilespmem:s11+$0xB00] =	vst v1;
	vm10 =	vgt.f32 v17, v12;
	vm9 =	vlt.f32 v3, $2.000000000e+00;
	v3 =	vadd.f32 v53, v52  }
0x99: {  	[tilespmem:s11+$0xA00] =	vst v49;
	v56 =	vsel vm15, $0x3F800000, v0;
	vm11 =	vgt.f32 v17, v14;
	v58 =	vsel vm10, $0x3F800000, v0  }
0x9a: {  	[tilespmem:s11+$0x980] =	vst v48;
	v57 =	vsel vm8, $0x3F800000, v0;
	v1 =	vadd.f32 v55, v54;
	v3 =	vadd.f32 v3, v58  }
0x9b: {  	[tilespmem:s11+$0xA80] =	vst v4;
	vm12 =	vgt.f32 v17, v2;
	v60 =	vsel vm11, $0x3F800000, v0;
	v4 =	vadd.f32 v57, v56  }
0x9c: {  	[tilespmem:s11+$0xB80] =	vst v6;
	v1 =	vadd.f32 v1, v60;
	v59 =	vnsel vm9, $0x0, v17;
	vm13 =	vlt.f32 v3, $2.000000000e+00  }
0x9d: {  	[tilespmem:s11+$0x880] =	vst v45;
	v61 =	vsel vm12, $0x3F800000, v0;
	v3 =	vnsel vm0, $0x0, v59;
	v62 =	vnsel vm13, $0x0, v12  }
0x9e: {  	vm14 =	vlt.f32 v1, $2.000000000e+00;
	[tilespmem:s13+$0xC00] =	vst v3;
	v3 =	vadd.f32 v4, v61;
	v1 =	vsel vm0, $0x0, v62  }
0x9f: {  	v63 =	vnsel vm14, $0x0, v14;
	[tilespmem:s13+$0x880] =	vst v1;
	v1 =	vnsel vm0, $0x0, v62  }
0xa0: {  	vm15 =	vlt.f32 v3, $2.000000000e+00;
	v3 =	vsel vm0, $0x0, v63;
	[tilespmem:s13+$0xA80] =	vst v1  }
0xa1: {  	v1 =	vnsel vm15, $0x0, v2;
	v2 =	vnsel vm0, $0x0, v63;
	[tilespmem:s13+$0x900] =	vst v3  }
0xa2: {  	v3 =	vsel vm0, $0x0, v1;
	[tilespmem:s13+$0xB00] =	vst v2  }
0xa3: {  	s10 =	sadd.s32 $0x1, s10;
	v1 =	vnsel vm0, $0x0, v1;
	[tilespmem:s13+$0x980] =	vst v3  }
0xa4: {  	p0 =	sne.s32 s10, s6;
	v2 =	vsel vm0, $0x0, v59;
	[tilespmem:s13+$0xB80] =	vst v1  }
.Ltmp2:
0xa5: {  	[tilespmem:s13+$0xA00] =	vst v2;
	(pc) =	sbr.rel @p0 .LBB2_2-.Ltmp2, $4  }
0xa6: {  	[hbm4b:s3+s2] =	stream.linear.scatter [tilespmem:s9], [sflag:$0x1], $0x400, $0x38;
	[tilespmem:$0xC00] =	vst v63  }
0xa7: {  	_ =	swait.ge [sflag:s8], $0x400  }
0xa8: {  	[sflag:s8] =	ssyncset.done $0x0  }
0xa9: {  	[sflag:s8] =	ssyncadd.s32 $0xFFFFFC00  }
.LBB2_5:
0xaa: {  	_ =	sfence.sel $0x180000  }
0xab: {  	[bflag:$0x0] =	sbarrier.arrive $0xFFFF  }
0xac: {  	p0 =	sne.s32 s1, $0x0;
	_ =	strace $0x90000047  }
0xad: {  	s0 =	sadd.s32 @!p0 $0x100000, s0;
	[bflag:$0x2] =	sbarrier.arrive $0xFFFF  }
0xae: {  	[sflag:s0] =	ssyncadd.tile.s32 @!p0 $0x1;
	_ =	shalt  }
.Lfunc_end2:
_tile_overlayer_lowered:
.L_overlay_start_2:
0xaf: {  	(tag) =	ssettag $0x2  }
0xb0: {  	s0 =	rddreg [dreg:$0x0];
	s2 =	stileid.u32  }
0xb1: {  	s1 =	rddreg [dreg:$0x1];
	p0 =	sne.s32 s2, $0x0  }
0xb2: {  	s3 =	rddreg [dreg:$0x2];
	[bflag:$0x3] =	sbarrier.arrive $0xFFFF;
	s2 =	simm.s32 @!p0 $0x1C01  }
0xb3: {  	[timem:s3], [sflag:s2] =	dma.local @!p0 [hbm:s0], s1  }
0xb4: {  	s0 =	simm.s32 @!p0 $0x1  }
0xb5: {  	_ =	swait.ge @!p0 [sflag:s0], s1  }
0xb6: {  	s1 =	ssub.s32 @!p0 $0x0, s1;
	[sflag:s0] =	ssyncset.done @!p0 $0x0  }
0xb7: {  	[sflag:s0] =	ssyncadd.s32 @!p0 s1  }
0xb8: {  	[bflag:$0x3] =	sbarrier.arrive $0xFFFF  }
0xb9: {  	_ =	shalt  }

</sc_bundles>
